<compile_context>
chip_gen: v7x
topology: tpu7x:2x2x1
jax: 0.10.2.dev20260603
libtpu: 0.0.44.dev20260713+nightly
codegen_flags: <defaults>
</compile_context>

<pallas_src>
import functools

import jax
import jax.numpy as jnp
from jax import lax
from jax.experimental import pallas as pl
from jax.experimental.pallas import tpu as pltpu
from jax.experimental.pallas import tpu_sc as plsc

NC = 2
NS = 16
NW = NC * NS

BATCH = 4
SEQ = 2048
D_MODEL = 768
N_TOK = BATCH * SEQ
B_PER_W = N_TOK // NW
CHUNK = 32
CHUNK_SIZES = (16, 16, 32, 32, 32, 32, 32, 32, 32)
CHUNK_OFFS = tuple(sum(CHUNK_SIZES[:i]) for i in range(len(CHUNK_SIZES)))
N_CHUNKS = len(CHUNK_SIZES)
NBUF = 5
W_PER_B = SEQ // B_PER_W


def _embed_kernel(table_hbm, tok_hbm, out_hbm,
                  idx_v, buf0, buf1, buf2, buf3, buf4,
                  g0, g1, g2, g3, g4, s0, s1, s2, s3, s4):
    wid = lax.axis_index("s") * NC + lax.axis_index("c")
    brow = wid // W_PER_B
    col = (wid % W_PER_B) * B_PER_W

    bufs = (buf0, buf1, buf2, buf3, buf4)
    gsems = (g0, g1, g2, g3, g4)
    ssems = (s0, s1, s2, s3, s4)

    head = 4 * CHUNK
    pltpu.sync_copy(tok_hbm.at[brow, pl.ds(col, head)],
                    idx_v.at[pl.ds(0, head)])

    def start_gather(chunk, slot):
        n = CHUNK_SIZES[chunk]
        return pltpu.async_copy(
            table_hbm.at[idx_v.at[pl.ds(CHUNK_OFFS[chunk], n)]],
            bufs[slot].at[pl.ds(0, n)], gsems[slot])

    def start_scatter(chunk, slot):
        n = CHUNK_SIZES[chunk]
        return pltpu.async_copy(
            bufs[slot].at[pl.ds(0, n)],
            out_hbm.at[brow, pl.ds(col + CHUNK_OFFS[chunk], n)],
            ssems[slot])

    gathers = {}
    scatters = {}
    for b in range(4):
        gathers[b] = start_gather(b, b)
    pltpu.sync_copy(tok_hbm.at[brow, pl.ds(col + head, B_PER_W - head)],
                    idx_v.at[pl.ds(head, B_PER_W - head)])
    for b in range(4, NBUF):
        gathers[b] = start_gather(b, b)

    for j in range(N_CHUNKS):
        slot = j % NBUF
        p = j - 1
        if p >= 0 and p + NBUF < N_CHUNKS:
            scatters[p].wait()
            gathers[p + NBUF] = start_gather(p + NBUF, p % NBUF)
        gathers[j].wait()
        scatters[j] = start_scatter(j, slot)

    for p in range(max(0, N_CHUNKS - NBUF), N_CHUNKS):
        scatters[p].wait()


@jax.jit
def kernel(tokens, W_E):
    mesh = plsc.VectorSubcoreMesh(
        core_axis_name="c", subcore_axis_name="s",
        num_cores=NC, num_subcores=NS)
    run = functools.partial(
        pl.kernel,
        out_type=jax.ShapeDtypeStruct((BATCH, SEQ, D_MODEL), jnp.float32),
        mesh=mesh,
        scratch_types=[
            pltpu.VMEM((B_PER_W,), jnp.int32),
            pltpu.VMEM((CHUNK, D_MODEL), jnp.float32),
            pltpu.VMEM((CHUNK, D_MODEL), jnp.float32),
            pltpu.VMEM((CHUNK, D_MODEL), jnp.float32),
            pltpu.VMEM((CHUNK, D_MODEL), jnp.float32),
            pltpu.VMEM((CHUNK, D_MODEL), jnp.float32),
            pltpu.SemaphoreType.DMA,
            pltpu.SemaphoreType.DMA,
            pltpu.SemaphoreType.DMA,
            pltpu.SemaphoreType.DMA,
            pltpu.SemaphoreType.DMA,
            pltpu.SemaphoreType.DMA,
            pltpu.SemaphoreType.DMA,
            pltpu.SemaphoreType.DMA,
            pltpu.SemaphoreType.DMA,
            pltpu.SemaphoreType.DMA,
        ],
    )(_embed_kernel)
    return run(W_E, tokens)

# --- scband reference (transcript-rebuilt; emitter-appended) ---
"""Pipeline reference for scband-embed-2559800508750 (READ-ONLY COPY).

The authoritative reference and input builder live on the scoring server;
editing this copy changes nothing except your own understanding.
"""

import jax, jax.numpy as jnp
import numpy as np

D_VOCAB = 50257
D_MODEL = 768
BATCH = 4
SEQ = 2048

def setup_inputs(seed: int = 0) -> dict:
    key = jax.random.key(seed)
    k_tok, k_we = jax.random.split(key)
    tokens = jax.random.randint(k_tok, (BATCH, SEQ), 0, D_VOCAB, dtype=jnp.int32)
    W_E = jax.random.normal(k_we, (D_VOCAB, D_MODEL), dtype=jnp.float32) * 0.02
    return {"tokens": tokens, "W_E": W_E}

def reference(tokens, W_E):
    # GPT-2 style token embedding: embed[b, s, :] = W_E[tokens[b, s], :]
    return jnp.take(W_E, tokens, axis=0)

if __name__ == "__main__":
    import jax
    _d = setup_inputs()
    print(jax.jit(kernel)(*tuple(_d.values())))

</pallas_src>

<mosaic_0001>
#map = affine_map<(d0, d1) -> (0, 0)>
#map1 = affine_map<(d0, d1) -> (0, 0, 0)>
module attributes {stable_mosaic.version = 14 : i64} {
  func.func @_embed_kernel(%arg0: i32, %arg1: i32, %arg2: memref<50257x768xf32, #tpu.memory_space<hbm>>, %arg3: memref<4x2048xi32, #tpu.memory_space<hbm>>, %arg4: memref<4x2048x768xf32, #tpu.memory_space<hbm>>, %arg5: memref<256xi32, #tpu.memory_space<vmem>>, %arg6: memref<32x768xf32, #tpu.memory_space<vmem>>, %arg7: memref<32x768xf32, #tpu.memory_space<vmem>>, %arg8: memref<32x768xf32, #tpu.memory_space<vmem>>, %arg9: memref<32x768xf32, #tpu.memory_space<vmem>>, %arg10: memref<32x768xf32, #tpu.memory_space<vmem>>, %arg11: memref<!tpu.dma_semaphore, #tpu.memory_space<semaphore_mem>>, %arg12: memref<!tpu.dma_semaphore, #tpu.memory_space<semaphore_mem>>, %arg13: memref<!tpu.dma_semaphore, #tpu.memory_space<semaphore_mem>>, %arg14: memref<!tpu.dma_semaphore, #tpu.memory_space<semaphore_mem>>, %arg15: memref<!tpu.dma_semaphore, #tpu.memory_space<semaphore_mem>>, %arg16: memref<!tpu.dma_semaphore, #tpu.memory_space<semaphore_mem>>, %arg17: memref<!tpu.dma_semaphore, #tpu.memory_space<semaphore_mem>>, %arg18: memref<!tpu.dma_semaphore, #tpu.memory_space<semaphore_mem>>, %arg19: memref<!tpu.dma_semaphore, #tpu.memory_space<semaphore_mem>>, %arg20: memref<!tpu.dma_semaphore, #tpu.memory_space<semaphore_mem>>) attributes {dimension_semantics = [#tpu.dimension_semantics<core_parallel>, #tpu.dimension_semantics<subcore_parallel>], iteration_bounds = array<i64: 2, 16>, scalar_prefetch = 0 : i64, scratch_operands = 16 : i64, tpu.core_type = #tpu.core_type<sc_vector_subcore>, window_params = [{transform_indices = #map}, {transform_indices = #map}, {transform_indices = #map1}]} {
    %mul3A = arith.constant 2 : i32
    %mul3A_0 = arith.muli %arg1, %mul3A : i32
    %add3A = arith.addi %mul3A_0, %arg0 : i32
    %jit3A = arith.constant 8 : i32
    %div3A = arith.divsi %add3A, %jit3A : i32
    %sign3A = arith.constant 0 : i32
    %sign3A_1 = arith.cmpi sgt, %add3A, %sign3A : i32
    %sign3A_2 = arith.extui %sign3A_1 : i1 to i32
    %sign3A_3 = arith.constant 0 : i32
    %sign3A_4 = arith.cmpi slt, %add3A, %sign3A_3 : i32
    %sign3A_5 = arith.extui %sign3A_4 : i1 to i32
    %sign3A_6 = arith.subi %sign3A_2, %sign3A_5 : i32
    %sign3A_7 = arith.constant 0 : i32
    %sign3A_8 = arith.cmpi sgt, %jit3A, %sign3A_7 : i32
    %sign3A_9 = arith.extui %sign3A_8 : i1 to i32
    %sign3A_10 = arith.constant 0 : i32
    %sign3A_11 = arith.cmpi slt, %jit3A, %sign3A_10 : i32
    %sign3A_12 = arith.extui %sign3A_11 : i1 to i32
    %sign3A_13 = arith.subi %sign3A_9, %sign3A_12 : i32
    %ne3A = arith.cmpi ne, %sign3A_6, %sign3A_13 : i32
    %rem3A = arith.remsi %add3A, %jit3A : i32
    %ne3A_14 = arith.constant 0 : i32
    %ne3A_15 = arith.cmpi ne, %rem3A, %ne3A_14 : i32
    %and3A = arith.andi %ne3A, %ne3A_15 : i1
    %sub3A = arith.constant 1 : i32
    %sub3A_16 = arith.subi %div3A, %sub3A : i32
    %select_n3A = arith.select %and3A, %sub3A_16, %div3A : i32
    %jit3A_17 = arith.constant 8 : i32
    %eq3A = arith.constant 0 : i32
    %eq3A_18 = arith.cmpi eq, %jit3A_17, %eq3A : i32
    %jit3A_19 = arith.constant 1 : i32
    %select_n3A_20 = arith.select %eq3A_18, %jit3A_19, %jit3A_17 : i32
    %rem3A_21 = arith.remsi %add3A, %select_n3A_20 : i32
    %ne3A_22 = arith.constant 0 : i32
    %ne3A_23 = arith.cmpi ne, %rem3A_21, %ne3A_22 : i32
    %lt3A = arith.constant 0 : i32
    %lt3A_24 = arith.cmpi slt, %rem3A_21, %lt3A : i32
    %lt3A_25 = arith.constant 0 : i32
    %lt3A_26 = arith.cmpi slt, %select_n3A_20, %lt3A_25 : i32
    %ne3A_27 = arith.xori %lt3A_24, %lt3A_26 : i1
    %and3A_28 = arith.andi %ne3A_27, %ne3A_23 : i1
    %add3A_29 = arith.addi %rem3A_21, %select_n3A_20 : i32
    %select_n3A_30 = arith.select %and3A_28, %add3A_29, %rem3A_21 : i32
    %mul3A_31 = arith.constant 256 : i32
    %mul3A_32 = arith.muli %select_n3A_30, %mul3A_31 : i32
    "tpu.region"() ({
      %run_scoped3A = tpu.sem_alloc : memref<!tpu.dma_semaphore, #tpu.memory_space<semaphore_mem>>
      %dma_start3A_411 = arith.constant 0 : i32
      %dma_start3A_412 = tpu.memref_slice %arg5[%dma_start3A_411] : memref<256xi32, #tpu.memory_space<vmem>> -> memref<128xi32, #tpu.memory_space<vmem>>
      %dma_start3A_413 = tpu.memref_slice %arg3[%select_n3A, %mul3A_32] : memref<4x2048xi32, #tpu.memory_space<hbm>> -> memref<1x128xi32, #tpu.memory_space<hbm>>
      %dma_start3A_414 = tpu.memref_squeeze %dma_start3A_413 : memref<1x128xi32, #tpu.memory_space<hbm>> -> memref<128xi32, #tpu.memory_space<hbm>>
      %dma_start3A_415 = arith.constant 0 : i32
      %dma_start3A_416 = tpu.memref_slice %arg5[%dma_start3A_415] : memref<256xi32, #tpu.memory_space<vmem>> -> memref<128xi32, #tpu.memory_space<vmem>>
      %dma_start3A_417 = tpu.memref_slice %arg3[%select_n3A, %mul3A_32] : memref<4x2048xi32, #tpu.memory_space<hbm>> -> memref<1x128xi32, #tpu.memory_space<hbm>>
      %dma_start3A_418 = tpu.memref_squeeze %dma_start3A_417 : memref<1x128xi32, #tpu.memory_space<hbm>> -> memref<128xi32, #tpu.memory_space<hbm>>
      tpu.enqueue_dma source(%dma_start3A_418 : memref<128xi32, #tpu.memory_space<hbm>>) target(%dma_start3A_416 : memref<128xi32, #tpu.memory_space<vmem>>) target_semaphore(%run_scoped3A : memref<!tpu.dma_semaphore, #tpu.memory_space<semaphore_mem>>)
      %dma_wait3A_419 = arith.constant 0 : i32
      %dma_wait3A_420 = tpu.memref_slice %arg5[%dma_wait3A_419] : memref<256xi32, #tpu.memory_space<vmem>> -> memref<128xi32, #tpu.memory_space<vmem>>
      %dma_wait3A_421 = tpu.memref_slice %arg3[%select_n3A, %mul3A_32] : memref<4x2048xi32, #tpu.memory_space<hbm>> -> memref<1x128xi32, #tpu.memory_space<hbm>>
      %dma_wait3A_422 = tpu.memref_squeeze %dma_wait3A_421 : memref<1x128xi32, #tpu.memory_space<hbm>> -> memref<128xi32, #tpu.memory_space<hbm>>
      %dma_wait3A_423 = arith.constant 0 : i32
      %dma_wait3A_424 = tpu.memref_slice %arg5[%dma_wait3A_423] : memref<256xi32, #tpu.memory_space<vmem>> -> memref<128xi32, #tpu.memory_space<vmem>>
      %dma_wait3A_425 = tpu.memref_slice %arg3[%select_n3A, %mul3A_32] : memref<4x2048xi32, #tpu.memory_space<hbm>> -> memref<1x128xi32, #tpu.memory_space<hbm>>
      %dma_wait3A_426 = tpu.memref_squeeze %dma_wait3A_425 : memref<1x128xi32, #tpu.memory_space<hbm>> -> memref<128xi32, #tpu.memory_space<hbm>>
      tpu.wait_dma2 semaphore(%run_scoped3A : memref<!tpu.dma_semaphore, #tpu.memory_space<semaphore_mem>>) src(%dma_wait3A_426 : memref<128xi32, #tpu.memory_space<hbm>>) dst(%dma_wait3A_424 : memref<128xi32, #tpu.memory_space<vmem>>)
      tpu.yield
    }) : () -> ()
    %dma_start3A = arith.constant 0 : i32
    %dma_start3A_33 = arith.constant 0 : i32
    %dma_start3A_34 = tpu.memref_slice %arg6[%dma_start3A, %dma_start3A_33] : memref<32x768xf32, #tpu.memory_space<vmem>> -> memref<16x768xf32, #tpu.memory_space<vmem>>
    %dma_start3A_35 = arith.constant 0 : i32
    %dma_start3A_36 = tpu.memref_slice %arg5[%dma_start3A_35] : memref<256xi32, #tpu.memory_space<vmem>> -> memref<16xi32, #tpu.memory_space<vmem>>
    %dma_start3A_37 = arith.constant 0 : i32
    %dma_start3A_38 = arith.constant 0 : i32
    %dma_start3A_39 = tpu.memref_slice %arg2[%dma_start3A_37, %dma_start3A_38] : memref<50257x768xf32, #tpu.memory_space<hbm>> -> memref<50257x768xf32, #tpu.memory_space<hbm>>
    tpu.enqueue_indirect_dma source(%dma_start3A_39 : memref<50257x768xf32, #tpu.memory_space<hbm>>) target(%dma_start3A_34 : memref<16x768xf32, #tpu.memory_space<vmem>>) offsets(%dma_start3A_36 : memref<16xi32, #tpu.memory_space<vmem>>) semaphore(%arg11 : memref<!tpu.dma_semaphore, #tpu.memory_space<semaphore_mem>>)
    %dma_start3A_40 = arith.constant 0 : i32
    %dma_start3A_41 = arith.constant 0 : i32
    %dma_start3A_42 = tpu.memref_slice %arg7[%dma_start3A_40, %dma_start3A_41] : memref<32x768xf32, #tpu.memory_space<vmem>> -> memref<16x768xf32, #tpu.memory_space<vmem>>
    %dma_start3A_43 = arith.constant 16 : i32
    %dma_start3A_44 = tpu.memref_slice %arg5[%dma_start3A_43] : memref<256xi32, #tpu.memory_space<vmem>> -> memref<16xi32, #tpu.memory_space<vmem>>
    %dma_start3A_45 = arith.constant 0 : i32
    %dma_start3A_46 = arith.constant 0 : i32
    %dma_start3A_47 = tpu.memref_slice %arg2[%dma_start3A_45, %dma_start3A_46] : memref<50257x768xf32, #tpu.memory_space<hbm>> -> memref<50257x768xf32, #tpu.memory_space<hbm>>
    tpu.enqueue_indirect_dma source(%dma_start3A_47 : memref<50257x768xf32, #tpu.memory_space<hbm>>) target(%dma_start3A_42 : memref<16x768xf32, #tpu.memory_space<vmem>>) offsets(%dma_start3A_44 : memref<16xi32, #tpu.memory_space<vmem>>) semaphore(%arg12 : memref<!tpu.dma_semaphore, #tpu.memory_space<semaphore_mem>>)
    %dma_start3A_48 = arith.constant 0 : i32
    %dma_start3A_49 = arith.constant 0 : i32
    %dma_start3A_50 = tpu.memref_slice %arg8[%dma_start3A_48, %dma_start3A_49] : memref<32x768xf32, #tpu.memory_space<vmem>> -> memref<32x768xf32, #tpu.memory_space<vmem>>
    %dma_start3A_51 = arith.constant 32 : i32
    %dma_start3A_52 = tpu.memref_slice %arg5[%dma_start3A_51] : memref<256xi32, #tpu.memory_space<vmem>> -> memref<32xi32, #tpu.memory_space<vmem>>
    %dma_start3A_53 = arith.constant 0 : i32
    %dma_start3A_54 = arith.constant 0 : i32
    %dma_start3A_55 = tpu.memref_slice %arg2[%dma_start3A_53, %dma_start3A_54] : memref<50257x768xf32, #tpu.memory_space<hbm>> -> memref<50257x768xf32, #tpu.memory_space<hbm>>
    tpu.enqueue_indirect_dma source(%dma_start3A_55 : memref<50257x768xf32, #tpu.memory_space<hbm>>) target(%dma_start3A_50 : memref<32x768xf32, #tpu.memory_space<vmem>>) offsets(%dma_start3A_52 : memref<32xi32, #tpu.memory_space<vmem>>) semaphore(%arg13 : memref<!tpu.dma_semaphore, #tpu.memory_space<semaphore_mem>>)
    %dma_start3A_56 = arith.constant 0 : i32
    %dma_start3A_57 = arith.constant 0 : i32
    %dma_start3A_58 = tpu.memref_slice %arg9[%dma_start3A_56, %dma_start3A_57] : memref<32x768xf32, #tpu.memory_space<vmem>> -> memref<32x768xf32, #tpu.memory_space<vmem>>
    %dma_start3A_59 = arith.constant 64 : i32
    %dma_start3A_60 = tpu.memref_slice %arg5[%dma_start3A_59] : memref<256xi32, #tpu.memory_space<vmem>> -> memref<32xi32, #tpu.memory_space<vmem>>
    %dma_start3A_61 = arith.constant 0 : i32
    %dma_start3A_62 = arith.constant 0 : i32
    %dma_start3A_63 = tpu.memref_slice %arg2[%dma_start3A_61, %dma_start3A_62] : memref<50257x768xf32, #tpu.memory_space<hbm>> -> memref<50257x768xf32, #tpu.memory_space<hbm>>
    tpu.enqueue_indirect_dma source(%dma_start3A_63 : memref<50257x768xf32, #tpu.memory_space<hbm>>) target(%dma_start3A_58 : memref<32x768xf32, #tpu.memory_space<vmem>>) offsets(%dma_start3A_60 : memref<32xi32, #tpu.memory_space<vmem>>) semaphore(%arg14 : memref<!tpu.dma_semaphore, #tpu.memory_space<semaphore_mem>>)
    %add3A_64 = arith.constant 128 : i32
    %add3A_65 = arith.addi %mul3A_32, %add3A_64 : i32
    "tpu.region"() ({
      %run_scoped3A = tpu.sem_alloc : memref<!tpu.dma_semaphore, #tpu.memory_space<semaphore_mem>>
      %dma_start3A_411 = arith.constant 128 : i32
      %dma_start3A_412 = tpu.memref_slice %arg5[%dma_start3A_411] : memref<256xi32, #tpu.memory_space<vmem>> -> memref<128xi32, #tpu.memory_space<vmem>>
      %dma_start3A_413 = tpu.memref_slice %arg3[%select_n3A, %add3A_65] : memref<4x2048xi32, #tpu.memory_space<hbm>> -> memref<1x128xi32, #tpu.memory_space<hbm>>
      %dma_start3A_414 = tpu.memref_squeeze %dma_start3A_413 : memref<1x128xi32, #tpu.memory_space<hbm>> -> memref<128xi32, #tpu.memory_space<hbm>>
      %dma_start3A_415 = arith.constant 128 : i32
      %dma_start3A_416 = tpu.memref_slice %arg5[%dma_start3A_415] : memref<256xi32, #tpu.memory_space<vmem>> -> memref<128xi32, #tpu.memory_space<vmem>>
      %dma_start3A_417 = tpu.memref_slice %arg3[%select_n3A, %add3A_65] : memref<4x2048xi32, #tpu.memory_space<hbm>> -> memref<1x128xi32, #tpu.memory_space<hbm>>
      %dma_start3A_418 = tpu.memref_squeeze %dma_start3A_417 : memref<1x128xi32, #tpu.memory_space<hbm>> -> memref<128xi32, #tpu.memory_space<hbm>>
      tpu.enqueue_dma source(%dma_start3A_418 : memref<128xi32, #tpu.memory_space<hbm>>) target(%dma_start3A_416 : memref<128xi32, #tpu.memory_space<vmem>>) target_semaphore(%run_scoped3A : memref<!tpu.dma_semaphore, #tpu.memory_space<semaphore_mem>>)
      %dma_wait3A_419 = arith.constant 128 : i32
      %dma_wait3A_420 = tpu.memref_slice %arg5[%dma_wait3A_419] : memref<256xi32, #tpu.memory_space<vmem>> -> memref<128xi32, #tpu.memory_space<vmem>>
      %dma_wait3A_421 = tpu.memref_slice %arg3[%select_n3A, %add3A_65] : memref<4x2048xi32, #tpu.memory_space<hbm>> -> memref<1x128xi32, #tpu.memory_space<hbm>>
      %dma_wait3A_422 = tpu.memref_squeeze %dma_wait3A_421 : memref<1x128xi32, #tpu.memory_space<hbm>> -> memref<128xi32, #tpu.memory_space<hbm>>
      %dma_wait3A_423 = arith.constant 128 : i32
      %dma_wait3A_424 = tpu.memref_slice %arg5[%dma_wait3A_423] : memref<256xi32, #tpu.memory_space<vmem>> -> memref<128xi32, #tpu.memory_space<vmem>>
      %dma_wait3A_425 = tpu.memref_slice %arg3[%select_n3A, %add3A_65] : memref<4x2048xi32, #tpu.memory_space<hbm>> -> memref<1x128xi32, #tpu.memory_space<hbm>>
      %dma_wait3A_426 = tpu.memref_squeeze %dma_wait3A_425 : memref<1x128xi32, #tpu.memory_space<hbm>> -> memref<128xi32, #tpu.memory_space<hbm>>
      tpu.wait_dma2 semaphore(%run_scoped3A : memref<!tpu.dma_semaphore, #tpu.memory_space<semaphore_mem>>) src(%dma_wait3A_426 : memref<128xi32, #tpu.memory_space<hbm>>) dst(%dma_wait3A_424 : memref<128xi32, #tpu.memory_space<vmem>>)
      tpu.yield
    }) : () -> ()
    %dma_start3A_66 = arith.constant 0 : i32
    %dma_start3A_67 = arith.constant 0 : i32
    %dma_start3A_68 = tpu.memref_slice %arg10[%dma_start3A_66, %dma_start3A_67] : memref<32x768xf32, #tpu.memory_space<vmem>> -> memref<32x768xf32, #tpu.memory_space<vmem>>
    %dma_start3A_69 = arith.constant 96 : i32
    %dma_start3A_70 = tpu.memref_slice %arg5[%dma_start3A_69] : memref<256xi32, #tpu.memory_space<vmem>> -> memref<32xi32, #tpu.memory_space<vmem>>
    %dma_start3A_71 = arith.constant 0 : i32
    %dma_start3A_72 = arith.constant 0 : i32
    %dma_start3A_73 = tpu.memref_slice %arg2[%dma_start3A_71, %dma_start3A_72] : memref<50257x768xf32, #tpu.memory_space<hbm>> -> memref<50257x768xf32, #tpu.memory_space<hbm>>
    tpu.enqueue_indirect_dma source(%dma_start3A_73 : memref<50257x768xf32, #tpu.memory_space<hbm>>) target(%dma_start3A_68 : memref<32x768xf32, #tpu.memory_space<vmem>>) offsets(%dma_start3A_70 : memref<32xi32, #tpu.memory_space<vmem>>) semaphore(%arg15 : memref<!tpu.dma_semaphore, #tpu.memory_space<semaphore_mem>>)
    %dma_wait3A = arith.constant 0 : i32
    %dma_wait3A_74 = arith.constant 0 : i32
    %dma_wait3A_75 = tpu.memref_slice %arg6[%dma_wait3A, %dma_wait3A_74] : memref<32x768xf32, #tpu.memory_space<vmem>> -> memref<16x768xf32, #tpu.memory_space<vmem>>
    %dma_wait3A_76 = arith.constant 0 : i32
    %dma_wait3A_77 = tpu.memref_slice %arg5[%dma_wait3A_76] : memref<256xi32, #tpu.memory_space<vmem>> -> memref<16xi32, #tpu.memory_space<vmem>>
    %dma_wait3A_78 = arith.constant 0 : i32
    %dma_wait3A_79 = arith.constant 0 : i32
    %dma_wait3A_80 = tpu.memref_slice %arg2[%dma_wait3A_78, %dma_wait3A_79] : memref<50257x768xf32, #tpu.memory_space<hbm>> -> memref<50257x768xf32, #tpu.memory_space<hbm>>
    tpu.wait_indirect_dma semaphore(%arg11 : memref<!tpu.dma_semaphore, #tpu.memory_space<semaphore_mem>>) src(%dma_wait3A_80 : memref<50257x768xf32, #tpu.memory_space<hbm>>) dst(%dma_wait3A_75 : memref<16x768xf32, #tpu.memory_space<vmem>>)
    %add3A_81 = arith.constant 0 : i32
    %add3A_82 = arith.addi %mul3A_32, %add3A_81 : i32
    %dma_start3A_83 = arith.constant 0 : i32
    %dma_start3A_84 = arith.constant 0 : i32
    %dma_start3A_85 = tpu.memref_slice %arg6[%dma_start3A_83, %dma_start3A_84] : memref<32x768xf32, #tpu.memory_space<vmem>> -> memref<16x768xf32, #tpu.memory_space<vmem>>
    %dma_start3A_86 = arith.constant 0 : i32
    %dma_start3A_87 = tpu.memref_slice %arg4[%select_n3A, %add3A_82, %dma_start3A_86] : memref<4x2048x768xf32, #tpu.memory_space<hbm>> -> memref<1x16x768xf32, #tpu.memory_space<hbm>>
    %dma_start3A_88 = tpu.memref_squeeze %dma_start3A_87 : memref<1x16x768xf32, #tpu.memory_space<hbm>> -> memref<16x768xf32, #tpu.memory_space<hbm>>
    %dma_start3A_89 = arith.constant 0 : i32
    %dma_start3A_90 = tpu.memref_slice %arg4[%select_n3A, %add3A_82, %dma_start3A_89] : memref<4x2048x768xf32, #tpu.memory_space<hbm>> -> memref<1x16x768xf32, #tpu.memory_space<hbm>>
    %dma_start3A_91 = tpu.memref_squeeze %dma_start3A_90 : memref<1x16x768xf32, #tpu.memory_space<hbm>> -> memref<16x768xf32, #tpu.memory_space<hbm>>
    %dma_start3A_92 = arith.constant 0 : i32
    %dma_start3A_93 = arith.constant 0 : i32
    %dma_start3A_94 = tpu.memref_slice %arg6[%dma_start3A_92, %dma_start3A_93] : memref<32x768xf32, #tpu.memory_space<vmem>> -> memref<16x768xf32, #tpu.memory_space<vmem>>
    tpu.enqueue_dma source(%dma_start3A_94 : memref<16x768xf32, #tpu.memory_space<vmem>>) target(%dma_start3A_91 : memref<16x768xf32, #tpu.memory_space<hbm>>) target_semaphore(%arg16 : memref<!tpu.dma_semaphore, #tpu.memory_space<semaphore_mem>>)
    %dma_wait3A_95 = arith.constant 0 : i32
    %dma_wait3A_96 = arith.constant 0 : i32
    %dma_wait3A_97 = tpu.memref_slice %arg6[%dma_wait3A_95, %dma_wait3A_96] : memref<32x768xf32, #tpu.memory_space<vmem>> -> memref<16x768xf32, #tpu.memory_space<vmem>>
    %dma_wait3A_98 = arith.constant 0 : i32
    %dma_wait3A_99 = tpu.memref_slice %arg4[%select_n3A, %add3A_82, %dma_wait3A_98] : memref<4x2048x768xf32, #tpu.memory_space<hbm>> -> memref<1x16x768xf32, #tpu.memory_space<hbm>>
    %dma_wait3A_100 = tpu.memref_squeeze %dma_wait3A_99 : memref<1x16x768xf32, #tpu.memory_space<hbm>> -> memref<16x768xf32, #tpu.memory_space<hbm>>
    %dma_wait3A_101 = arith.constant 0 : i32
    %dma_wait3A_102 = tpu.memref_slice %arg4[%select_n3A, %add3A_82, %dma_wait3A_101] : memref<4x2048x768xf32, #tpu.memory_space<hbm>> -> memref<1x16x768xf32, #tpu.memory_space<hbm>>
    %dma_wait3A_103 = tpu.memref_squeeze %dma_wait3A_102 : memref<1x16x768xf32, #tpu.memory_space<hbm>> -> memref<16x768xf32, #tpu.memory_space<hbm>>
    %dma_wait3A_104 = arith.constant 0 : i32
    %dma_wait3A_105 = arith.constant 0 : i32
    %dma_wait3A_106 = tpu.memref_slice %arg6[%dma_wait3A_104, %dma_wait3A_105] : memref<32x768xf32, #tpu.memory_space<vmem>> -> memref<16x768xf32, #tpu.memory_space<vmem>>
    tpu.wait_dma2 semaphore(%arg16 : memref<!tpu.dma_semaphore, #tpu.memory_space<semaphore_mem>>) src(%dma_wait3A_106 : memref<16x768xf32, #tpu.memory_space<vmem>>) dst(%dma_wait3A_103 : memref<16x768xf32, #tpu.memory_space<hbm>>)
    %dma_start3A_107 = arith.constant 0 : i32
    %dma_start3A_108 = arith.constant 0 : i32
    %dma_start3A_109 = tpu.memref_slice %arg6[%dma_start3A_107, %dma_start3A_108] : memref<32x768xf32, #tpu.memory_space<vmem>> -> memref<32x768xf32, #tpu.memory_space<vmem>>
    %dma_start3A_110 = arith.constant 128 : i32
    %dma_start3A_111 = tpu.memref_slice %arg5[%dma_start3A_110] : memref<256xi32, #tpu.memory_space<vmem>> -> memref<32xi32, #tpu.memory_space<vmem>>
    %dma_start3A_112 = arith.constant 0 : i32
    %dma_start3A_113 = arith.constant 0 : i32
    %dma_start3A_114 = tpu.memref_slice %arg2[%dma_start3A_112, %dma_start3A_113] : memref<50257x768xf32, #tpu.memory_space<hbm>> -> memref<50257x768xf32, #tpu.memory_space<hbm>>
    tpu.enqueue_indirect_dma source(%dma_start3A_114 : memref<50257x768xf32, #tpu.memory_space<hbm>>) target(%dma_start3A_109 : memref<32x768xf32, #tpu.memory_space<vmem>>) offsets(%dma_start3A_111 : memref<32xi32, #tpu.memory_space<vmem>>) semaphore(%arg11 : memref<!tpu.dma_semaphore, #tpu.memory_space<semaphore_mem>>)
    %dma_wait3A_115 = arith.constant 0 : i32
    %dma_wait3A_116 = arith.constant 0 : i32
    %dma_wait3A_117 = tpu.memref_slice %arg7[%dma_wait3A_115, %dma_wait3A_116] : memref<32x768xf32, #tpu.memory_space<vmem>> -> memref<16x768xf32, #tpu.memory_space<vmem>>
    %dma_wait3A_118 = arith.constant 16 : i32
    %dma_wait3A_119 = tpu.memref_slice %arg5[%dma_wait3A_118] : memref<256xi32, #tpu.memory_space<vmem>> -> memref<16xi32, #tpu.memory_space<vmem>>
    %dma_wait3A_120 = arith.constant 0 : i32
    %dma_wait3A_121 = arith.constant 0 : i32
    %dma_wait3A_122 = tpu.memref_slice %arg2[%dma_wait3A_120, %dma_wait3A_121] : memref<50257x768xf32, #tpu.memory_space<hbm>> -> memref<50257x768xf32, #tpu.memory_space<hbm>>
    tpu.wait_indirect_dma semaphore(%arg12 : memref<!tpu.dma_semaphore, #tpu.memory_space<semaphore_mem>>) src(%dma_wait3A_122 : memref<50257x768xf32, #tpu.memory_space<hbm>>) dst(%dma_wait3A_117 : memref<16x768xf32, #tpu.memory_space<vmem>>)
    %add3A_123 = arith.constant 16 : i32
    %add3A_124 = arith.addi %mul3A_32, %add3A_123 : i32
    %dma_start3A_125 = arith.constant 0 : i32
    %dma_start3A_126 = arith.constant 0 : i32
    %dma_start3A_127 = tpu.memref_slice %arg7[%dma_start3A_125, %dma_start3A_126] : memref<32x768xf32, #tpu.memory_space<vmem>> -> memref<16x768xf32, #tpu.memory_space<vmem>>
    %dma_start3A_128 = arith.constant 0 : i32
    %dma_start3A_129 = tpu.memref_slice %arg4[%select_n3A, %add3A_124, %dma_start3A_128] : memref<4x2048x768xf32, #tpu.memory_space<hbm>> -> memref<1x16x768xf32, #tpu.memory_space<hbm>>
    %dma_start3A_130 = tpu.memref_squeeze %dma_start3A_129 : memref<1x16x768xf32, #tpu.memory_space<hbm>> -> memref<16x768xf32, #tpu.memory_space<hbm>>
    %dma_start3A_131 = arith.constant 0 : i32
    %dma_start3A_132 = tpu.memref_slice %arg4[%select_n3A, %add3A_124, %dma_start3A_131] : memref<4x2048x768xf32, #tpu.memory_space<hbm>> -> memref<1x16x768xf32, #tpu.memory_space<hbm>>
    %dma_start3A_133 = tpu.memref_squeeze %dma_start3A_132 : memref<1x16x768xf32, #tpu.memory_space<hbm>> -> memref<16x768xf32, #tpu.memory_space<hbm>>
    %dma_start3A_134 = arith.constant 0 : i32
    %dma_start3A_135 = arith.constant 0 : i32
    %dma_start3A_136 = tpu.memref_slice %arg7[%dma_start3A_134, %dma_start3A_135] : memref<32x768xf32, #tpu.memory_space<vmem>> -> memref<16x768xf32, #tpu.memory_space<vmem>>
    tpu.enqueue_dma source(%dma_start3A_136 : memref<16x768xf32, #tpu.memory_space<vmem>>) target(%dma_start3A_133 : memref<16x768xf32, #tpu.memory_space<hbm>>) target_semaphore(%arg17 : memref<!tpu.dma_semaphore, #tpu.memory_space<semaphore_mem>>)
    %dma_wait3A_137 = arith.constant 0 : i32
    %dma_wait3A_138 = arith.constant 0 : i32
    %dma_wait3A_139 = tpu.memref_slice %arg7[%dma_wait3A_137, %dma_wait3A_138] : memref<32x768xf32, #tpu.memory_space<vmem>> -> memref<16x768xf32, #tpu.memory_space<vmem>>
    %dma_wait3A_140 = arith.constant 0 : i32
    %dma_wait3A_141 = tpu.memref_slice %arg4[%select_n3A, %add3A_124, %dma_wait3A_140] : memref<4x2048x768xf32, #tpu.memory_space<hbm>> -> memref<1x16x768xf32, #tpu.memory_space<hbm>>
    %dma_wait3A_142 = tpu.memref_squeeze %dma_wait3A_141 : memref<1x16x768xf32, #tpu.memory_space<hbm>> -> memref<16x768xf32, #tpu.memory_space<hbm>>
    %dma_wait3A_143 = arith.constant 0 : i32
    %dma_wait3A_144 = tpu.memref_slice %arg4[%select_n3A, %add3A_124, %dma_wait3A_143] : memref<4x2048x768xf32, #tpu.memory_space<hbm>> -> memref<1x16x768xf32, #tpu.memory_space<hbm>>
    %dma_wait3A_145 = tpu.memref_squeeze %dma_wait3A_144 : memref<1x16x768xf32, #tpu.memory_space<hbm>> -> memref<16x768xf32, #tpu.memory_space<hbm>>
    %dma_wait3A_146 = arith.constant 0 : i32
    %dma_wait3A_147 = arith.constant 0 : i32
    %dma_wait3A_148 = tpu.memref_slice %arg7[%dma_wait3A_146, %dma_wait3A_147] : memref<32x768xf32, #tpu.memory_space<vmem>> -> memref<16x768xf32, #tpu.memory_space<vmem>>
    tpu.wait_dma2 semaphore(%arg17 : memref<!tpu.dma_semaphore, #tpu.memory_space<semaphore_mem>>) src(%dma_wait3A_148 : memref<16x768xf32, #tpu.memory_space<vmem>>) dst(%dma_wait3A_145 : memref<16x768xf32, #tpu.memory_space<hbm>>)
    %dma_start3A_149 = arith.constant 0 : i32
    %dma_start3A_150 = arith.constant 0 : i32
    %dma_start3A_151 = tpu.memref_slice %arg7[%dma_start3A_149, %dma_start3A_150] : memref<32x768xf32, #tpu.memory_space<vmem>> -> memref<32x768xf32, #tpu.memory_space<vmem>>
    %dma_start3A_152 = arith.constant 160 : i32
    %dma_start3A_153 = tpu.memref_slice %arg5[%dma_start3A_152] : memref<256xi32, #tpu.memory_space<vmem>> -> memref<32xi32, #tpu.memory_space<vmem>>
    %dma_start3A_154 = arith.constant 0 : i32
    %dma_start3A_155 = arith.constant 0 : i32
    %dma_start3A_156 = tpu.memref_slice %arg2[%dma_start3A_154, %dma_start3A_155] : memref<50257x768xf32, #tpu.memory_space<hbm>> -> memref<50257x768xf32, #tpu.memory_space<hbm>>
    tpu.enqueue_indirect_dma source(%dma_start3A_156 : memref<50257x768xf32, #tpu.memory_space<hbm>>) target(%dma_start3A_151 : memref<32x768xf32, #tpu.memory_space<vmem>>) offsets(%dma_start3A_153 : memref<32xi32, #tpu.memory_space<vmem>>) semaphore(%arg12 : memref<!tpu.dma_semaphore, #tpu.memory_space<semaphore_mem>>)
    %dma_wait3A_157 = arith.constant 0 : i32
    %dma_wait3A_158 = arith.constant 0 : i32
    %dma_wait3A_159 = tpu.memref_slice %arg8[%dma_wait3A_157, %dma_wait3A_158] : memref<32x768xf32, #tpu.memory_space<vmem>> -> memref<32x768xf32, #tpu.memory_space<vmem>>
    %dma_wait3A_160 = arith.constant 32 : i32
    %dma_wait3A_161 = tpu.memref_slice %arg5[%dma_wait3A_160] : memref<256xi32, #tpu.memory_space<vmem>> -> memref<32xi32, #tpu.memory_space<vmem>>
    %dma_wait3A_162 = arith.constant 0 : i32
    %dma_wait3A_163 = arith.constant 0 : i32
    %dma_wait3A_164 = tpu.memref_slice %arg2[%dma_wait3A_162, %dma_wait3A_163] : memref<50257x768xf32, #tpu.memory_space<hbm>> -> memref<50257x768xf32, #tpu.memory_space<hbm>>
    tpu.wait_indirect_dma semaphore(%arg13 : memref<!tpu.dma_semaphore, #tpu.memory_space<semaphore_mem>>) src(%dma_wait3A_164 : memref<50257x768xf32, #tpu.memory_space<hbm>>) dst(%dma_wait3A_159 : memref<32x768xf32, #tpu.memory_space<vmem>>)
    %add3A_165 = arith.constant 32 : i32
    %add3A_166 = arith.addi %mul3A_32, %add3A_165 : i32
    %dma_start3A_167 = arith.constant 0 : i32
    %dma_start3A_168 = arith.constant 0 : i32
    %dma_start3A_169 = tpu.memref_slice %arg8[%dma_start3A_167, %dma_start3A_168] : memref<32x768xf32, #tpu.memory_space<vmem>> -> memref<32x768xf32, #tpu.memory_space<vmem>>
    %dma_start3A_170 = arith.constant 0 : i32
    %dma_start3A_171 = tpu.memref_slice %arg4[%select_n3A, %add3A_166, %dma_start3A_170] : memref<4x2048x768xf32, #tpu.memory_space<hbm>> -> memref<1x32x768xf32, #tpu.memory_space<hbm>>
    %dma_start3A_172 = tpu.memref_squeeze %dma_start3A_171 : memref<1x32x768xf32, #tpu.memory_space<hbm>> -> memref<32x768xf32, #tpu.memory_space<hbm>>
    %dma_start3A_173 = arith.constant 0 : i32
    %dma_start3A_174 = tpu.memref_slice %arg4[%select_n3A, %add3A_166, %dma_start3A_173] : memref<4x2048x768xf32, #tpu.memory_space<hbm>> -> memref<1x32x768xf32, #tpu.memory_space<hbm>>
    %dma_start3A_175 = tpu.memref_squeeze %dma_start3A_174 : memref<1x32x768xf32, #tpu.memory_space<hbm>> -> memref<32x768xf32, #tpu.memory_space<hbm>>
    %dma_start3A_176 = arith.constant 0 : i32
    %dma_start3A_177 = arith.constant 0 : i32
    %dma_start3A_178 = tpu.memref_slice %arg8[%dma_start3A_176, %dma_start3A_177] : memref<32x768xf32, #tpu.memory_space<vmem>> -> memref<32x768xf32, #tpu.memory_space<vmem>>
    tpu.enqueue_dma source(%dma_start3A_178 : memref<32x768xf32, #tpu.memory_space<vmem>>) target(%dma_start3A_175 : memref<32x768xf32, #tpu.memory_space<hbm>>) target_semaphore(%arg18 : memref<!tpu.dma_semaphore, #tpu.memory_space<semaphore_mem>>)
    %dma_wait3A_179 = arith.constant 0 : i32
    %dma_wait3A_180 = arith.constant 0 : i32
    %dma_wait3A_181 = tpu.memref_slice %arg8[%dma_wait3A_179, %dma_wait3A_180] : memref<32x768xf32, #tpu.memory_space<vmem>> -> memref<32x768xf32, #tpu.memory_space<vmem>>
    %dma_wait3A_182 = arith.constant 0 : i32
    %dma_wait3A_183 = tpu.memref_slice %arg4[%select_n3A, %add3A_166, %dma_wait3A_182] : memref<4x2048x768xf32, #tpu.memory_space<hbm>> -> memref<1x32x768xf32, #tpu.memory_space<hbm>>
    %dma_wait3A_184 = tpu.memref_squeeze %dma_wait3A_183 : memref<1x32x768xf32, #tpu.memory_space<hbm>> -> memref<32x768xf32, #tpu.memory_space<hbm>>
    %dma_wait3A_185 = arith.constant 0 : i32
    %dma_wait3A_186 = tpu.memref_slice %arg4[%select_n3A, %add3A_166, %dma_wait3A_185] : memref<4x2048x768xf32, #tpu.memory_space<hbm>> -> memref<1x32x768xf32, #tpu.memory_space<hbm>>
    %dma_wait3A_187 = tpu.memref_squeeze %dma_wait3A_186 : memref<1x32x768xf32, #tpu.memory_space<hbm>> -> memref<32x768xf32, #tpu.memory_space<hbm>>
    %dma_wait3A_188 = arith.constant 0 : i32
    %dma_wait3A_189 = arith.constant 0 : i32
    %dma_wait3A_190 = tpu.memref_slice %arg8[%dma_wait3A_188, %dma_wait3A_189] : memref<32x768xf32, #tpu.memory_space<vmem>> -> memref<32x768xf32, #tpu.memory_space<vmem>>
    tpu.wait_dma2 semaphore(%arg18 : memref<!tpu.dma_semaphore, #tpu.memory_space<semaphore_mem>>) src(%dma_wait3A_190 : memref<32x768xf32, #tpu.memory_space<vmem>>) dst(%dma_wait3A_187 : memref<32x768xf32, #tpu.memory_space<hbm>>)
    %dma_start3A_191 = arith.constant 0 : i32
    %dma_start3A_192 = arith.constant 0 : i32
    %dma_start3A_193 = tpu.memref_slice %arg8[%dma_start3A_191, %dma_start3A_192] : memref<32x768xf32, #tpu.memory_space<vmem>> -> memref<32x768xf32, #tpu.memory_space<vmem>>
    %dma_start3A_194 = arith.constant 192 : i32
    %dma_start3A_195 = tpu.memref_slice %arg5[%dma_start3A_194] : memref<256xi32, #tpu.memory_space<vmem>> -> memref<32xi32, #tpu.memory_space<vmem>>
    %dma_start3A_196 = arith.constant 0 : i32
    %dma_start3A_197 = arith.constant 0 : i32
    %dma_start3A_198 = tpu.memref_slice %arg2[%dma_start3A_196, %dma_start3A_197] : memref<50257x768xf32, #tpu.memory_space<hbm>> -> memref<50257x768xf32, #tpu.memory_space<hbm>>
    tpu.enqueue_indirect_dma source(%dma_start3A_198 : memref<50257x768xf32, #tpu.memory_space<hbm>>) target(%dma_start3A_193 : memref<32x768xf32, #tpu.memory_space<vmem>>) offsets(%dma_start3A_195 : memref<32xi32, #tpu.memory_space<vmem>>) semaphore(%arg13 : memref<!tpu.dma_semaphore, #tpu.memory_space<semaphore_mem>>)
    %dma_wait3A_199 = arith.constant 0 : i32
    %dma_wait3A_200 = arith.constant 0 : i32
    %dma_wait3A_201 = tpu.memref_slice %arg9[%dma_wait3A_199, %dma_wait3A_200] : memref<32x768xf32, #tpu.memory_space<vmem>> -> memref<32x768xf32, #tpu.memory_space<vmem>>
    %dma_wait3A_202 = arith.constant 64 : i32
    %dma_wait3A_203 = tpu.memref_slice %arg5[%dma_wait3A_202] : memref<256xi32, #tpu.memory_space<vmem>> -> memref<32xi32, #tpu.memory_space<vmem>>
    %dma_wait3A_204 = arith.constant 0 : i32
    %dma_wait3A_205 = arith.constant 0 : i32
    %dma_wait3A_206 = tpu.memref_slice %arg2[%dma_wait3A_204, %dma_wait3A_205] : memref<50257x768xf32, #tpu.memory_space<hbm>> -> memref<50257x768xf32, #tpu.memory_space<hbm>>
    tpu.wait_indirect_dma semaphore(%arg14 : memref<!tpu.dma_semaphore, #tpu.memory_space<semaphore_mem>>) src(%dma_wait3A_206 : memref<50257x768xf32, #tpu.memory_space<hbm>>) dst(%dma_wait3A_201 : memref<32x768xf32, #tpu.memory_space<vmem>>)
    %add3A_207 = arith.constant 64 : i32
    %add3A_208 = arith.addi %mul3A_32, %add3A_207 : i32
    %dma_start3A_209 = arith.constant 0 : i32
    %dma_start3A_210 = arith.constant 0 : i32
    %dma_start3A_211 = tpu.memref_slice %arg9[%dma_start3A_209, %dma_start3A_210] : memref<32x768xf32, #tpu.memory_space<vmem>> -> memref<32x768xf32, #tpu.memory_space<vmem>>
    %dma_start3A_212 = arith.constant 0 : i32
    %dma_start3A_213 = tpu.memref_slice %arg4[%select_n3A, %add3A_208, %dma_start3A_212] : memref<4x2048x768xf32, #tpu.memory_space<hbm>> -> memref<1x32x768xf32, #tpu.memory_space<hbm>>
    %dma_start3A_214 = tpu.memref_squeeze %dma_start3A_213 : memref<1x32x768xf32, #tpu.memory_space<hbm>> -> memref<32x768xf32, #tpu.memory_space<hbm>>
    %dma_start3A_215 = arith.constant 0 : i32
    %dma_start3A_216 = tpu.memref_slice %arg4[%select_n3A, %add3A_208, %dma_start3A_215] : memref<4x2048x768xf32, #tpu.memory_space<hbm>> -> memref<1x32x768xf32, #tpu.memory_space<hbm>>
    %dma_start3A_217 = tpu.memref_squeeze %dma_start3A_216 : memref<1x32x768xf32, #tpu.memory_space<hbm>> -> memref<32x768xf32, #tpu.memory_space<hbm>>
    %dma_start3A_218 = arith.constant 0 : i32
    %dma_start3A_219 = arith.constant 0 : i32
    %dma_start3A_220 = tpu.memref_slice %arg9[%dma_start3A_218, %dma_start3A_219] : memref<32x768xf32, #tpu.memory_space<vmem>> -> memref<32x768xf32, #tpu.memory_space<vmem>>
    tpu.enqueue_dma source(%dma_start3A_220 : memref<32x768xf32, #tpu.memory_space<vmem>>) target(%dma_start3A_217 : memref<32x768xf32, #tpu.memory_space<hbm>>) target_semaphore(%arg19 : memref<!tpu.dma_semaphore, #tpu.memory_space<semaphore_mem>>)
    %dma_wait3A_221 = arith.constant 0 : i32
    %dma_wait3A_222 = arith.constant 0 : i32
    %dma_wait3A_223 = tpu.memref_slice %arg9[%dma_wait3A_221, %dma_wait3A_222] : memref<32x768xf32, #tpu.memory_space<vmem>> -> memref<32x768xf32, #tpu.memory_space<vmem>>
    %dma_wait3A_224 = arith.constant 0 : i32
    %dma_wait3A_225 = tpu.memref_slice %arg4[%select_n3A, %add3A_208, %dma_wait3A_224] : memref<4x2048x768xf32, #tpu.memory_space<hbm>> -> memref<1x32x768xf32, #tpu.memory_space<hbm>>
    %dma_wait3A_226 = tpu.memref_squeeze %dma_wait3A_225 : memref<1x32x768xf32, #tpu.memory_space<hbm>> -> memref<32x768xf32, #tpu.memory_space<hbm>>
    %dma_wait3A_227 = arith.constant 0 : i32
    %dma_wait3A_228 = tpu.memref_slice %arg4[%select_n3A, %add3A_208, %dma_wait3A_227] : memref<4x2048x768xf32, #tpu.memory_space<hbm>> -> memref<1x32x768xf32, #tpu.memory_space<hbm>>
    %dma_wait3A_229 = tpu.memref_squeeze %dma_wait3A_228 : memref<1x32x768xf32, #tpu.memory_space<hbm>> -> memref<32x768xf32, #tpu.memory_space<hbm>>
    %dma_wait3A_230 = arith.constant 0 : i32
    %dma_wait3A_231 = arith.constant 0 : i32
    %dma_wait3A_232 = tpu.memref_slice %arg9[%dma_wait3A_230, %dma_wait3A_231] : memref<32x768xf32, #tpu.memory_space<vmem>> -> memref<32x768xf32, #tpu.memory_space<vmem>>
    tpu.wait_dma2 semaphore(%arg19 : memref<!tpu.dma_semaphore, #tpu.memory_space<semaphore_mem>>) src(%dma_wait3A_232 : memref<32x768xf32, #tpu.memory_space<vmem>>) dst(%dma_wait3A_229 : memref<32x768xf32, #tpu.memory_space<hbm>>)
    %dma_start3A_233 = arith.constant 0 : i32
    %dma_start3A_234 = arith.constant 0 : i32
    %dma_start3A_235 = tpu.memref_slice %arg9[%dma_start3A_233, %dma_start3A_234] : memref<32x768xf32, #tpu.memory_space<vmem>> -> memref<32x768xf32, #tpu.memory_space<vmem>>
    %dma_start3A_236 = arith.constant 224 : i32
    %dma_start3A_237 = tpu.memref_slice %arg5[%dma_start3A_236] : memref<256xi32, #tpu.memory_space<vmem>> -> memref<32xi32, #tpu.memory_space<vmem>>
    %dma_start3A_238 = arith.constant 0 : i32
    %dma_start3A_239 = arith.constant 0 : i32
    %dma_start3A_240 = tpu.memref_slice %arg2[%dma_start3A_238, %dma_start3A_239] : memref<50257x768xf32, #tpu.memory_space<hbm>> -> memref<50257x768xf32, #tpu.memory_space<hbm>>
    tpu.enqueue_indirect_dma source(%dma_start3A_240 : memref<50257x768xf32, #tpu.memory_space<hbm>>) target(%dma_start3A_235 : memref<32x768xf32, #tpu.memory_space<vmem>>) offsets(%dma_start3A_237 : memref<32xi32, #tpu.memory_space<vmem>>) semaphore(%arg14 : memref<!tpu.dma_semaphore, #tpu.memory_space<semaphore_mem>>)
    %dma_wait3A_241 = arith.constant 0 : i32
    %dma_wait3A_242 = arith.constant 0 : i32
    %dma_wait3A_243 = tpu.memref_slice %arg10[%dma_wait3A_241, %dma_wait3A_242] : memref<32x768xf32, #tpu.memory_space<vmem>> -> memref<32x768xf32, #tpu.memory_space<vmem>>
    %dma_wait3A_244 = arith.constant 96 : i32
    %dma_wait3A_245 = tpu.memref_slice %arg5[%dma_wait3A_244] : memref<256xi32, #tpu.memory_space<vmem>> -> memref<32xi32, #tpu.memory_space<vmem>>
    %dma_wait3A_246 = arith.constant 0 : i32
    %dma_wait3A_247 = arith.constant 0 : i32
    %dma_wait3A_248 = tpu.memref_slice %arg2[%dma_wait3A_246, %dma_wait3A_247] : memref<50257x768xf32, #tpu.memory_space<hbm>> -> memref<50257x768xf32, #tpu.memory_space<hbm>>
    tpu.wait_indirect_dma semaphore(%arg15 : memref<!tpu.dma_semaphore, #tpu.memory_space<semaphore_mem>>) src(%dma_wait3A_248 : memref<50257x768xf32, #tpu.memory_space<hbm>>) dst(%dma_wait3A_243 : memref<32x768xf32, #tpu.memory_space<vmem>>)
    %add3A_249 = arith.constant 96 : i32
    %add3A_250 = arith.addi %mul3A_32, %add3A_249 : i32
    %dma_start3A_251 = arith.constant 0 : i32
    %dma_start3A_252 = arith.constant 0 : i32
    %dma_start3A_253 = tpu.memref_slice %arg10[%dma_start3A_251, %dma_start3A_252] : memref<32x768xf32, #tpu.memory_space<vmem>> -> memref<32x768xf32, #tpu.memory_space<vmem>>
    %dma_start3A_254 = arith.constant 0 : i32
    %dma_start3A_255 = tpu.memref_slice %arg4[%select_n3A, %add3A_250, %dma_start3A_254] : memref<4x2048x768xf32, #tpu.memory_space<hbm>> -> memref<1x32x768xf32, #tpu.memory_space<hbm>>
    %dma_start3A_256 = tpu.memref_squeeze %dma_start3A_255 : memref<1x32x768xf32, #tpu.memory_space<hbm>> -> memref<32x768xf32, #tpu.memory_space<hbm>>
    %dma_start3A_257 = arith.constant 0 : i32
    %dma_start3A_258 = tpu.memref_slice %arg4[%select_n3A, %add3A_250, %dma_start3A_257] : memref<4x2048x768xf32, #tpu.memory_space<hbm>> -> memref<1x32x768xf32, #tpu.memory_space<hbm>>
    %dma_start3A_259 = tpu.memref_squeeze %dma_start3A_258 : memref<1x32x768xf32, #tpu.memory_space<hbm>> -> memref<32x768xf32, #tpu.memory_space<hbm>>
    %dma_start3A_260 = arith.constant 0 : i32
    %dma_start3A_261 = arith.constant 0 : i32
    %dma_start3A_262 = tpu.memref_slice %arg10[%dma_start3A_260, %dma_start3A_261] : memref<32x768xf32, #tpu.memory_space<vmem>> -> memref<32x768xf32, #tpu.memory_space<vmem>>
    tpu.enqueue_dma source(%dma_start3A_262 : memref<32x768xf32, #tpu.memory_space<vmem>>) target(%dma_start3A_259 : memref<32x768xf32, #tpu.memory_space<hbm>>) target_semaphore(%arg20 : memref<!tpu.dma_semaphore, #tpu.memory_space<semaphore_mem>>)
    %dma_wait3A_263 = arith.constant 0 : i32
    %dma_wait3A_264 = arith.constant 0 : i32
    %dma_wait3A_265 = tpu.memref_slice %arg6[%dma_wait3A_263, %dma_wait3A_264] : memref<32x768xf32, #tpu.memory_space<vmem>> -> memref<32x768xf32, #tpu.memory_space<vmem>>
    %dma_wait3A_266 = arith.constant 128 : i32
    %dma_wait3A_267 = tpu.memref_slice %arg5[%dma_wait3A_266] : memref<256xi32, #tpu.memory_space<vmem>> -> memref<32xi32, #tpu.memory_space<vmem>>
    %dma_wait3A_268 = arith.constant 0 : i32
    %dma_wait3A_269 = arith.constant 0 : i32
    %dma_wait3A_270 = tpu.memref_slice %arg2[%dma_wait3A_268, %dma_wait3A_269] : memref<50257x768xf32, #tpu.memory_space<hbm>> -> memref<50257x768xf32, #tpu.memory_space<hbm>>
    tpu.wait_indirect_dma semaphore(%arg11 : memref<!tpu.dma_semaphore, #tpu.memory_space<semaphore_mem>>) src(%dma_wait3A_270 : memref<50257x768xf32, #tpu.memory_space<hbm>>) dst(%dma_wait3A_265 : memref<32x768xf32, #tpu.memory_space<vmem>>)
    %add3A_271 = arith.constant 128 : i32
    %add3A_272 = arith.addi %mul3A_32, %add3A_271 : i32
    %dma_start3A_273 = arith.constant 0 : i32
    %dma_start3A_274 = arith.constant 0 : i32
    %dma_start3A_275 = tpu.memref_slice %arg6[%dma_start3A_273, %dma_start3A_274] : memref<32x768xf32, #tpu.memory_space<vmem>> -> memref<32x768xf32, #tpu.memory_space<vmem>>
    %dma_start3A_276 = arith.constant 0 : i32
    %dma_start3A_277 = tpu.memref_slice %arg4[%select_n3A, %add3A_272, %dma_start3A_276] : memref<4x2048x768xf32, #tpu.memory_space<hbm>> -> memref<1x32x768xf32, #tpu.memory_space<hbm>>
    %dma_start3A_278 = tpu.memref_squeeze %dma_start3A_277 : memref<1x32x768xf32, #tpu.memory_space<hbm>> -> memref<32x768xf32, #tpu.memory_space<hbm>>
    %dma_start3A_279 = arith.constant 0 : i32
    %dma_start3A_280 = tpu.memref_slice %arg4[%select_n3A, %add3A_272, %dma_start3A_279] : memref<4x2048x768xf32, #tpu.memory_space<hbm>> -> memref<1x32x768xf32, #tpu.memory_space<hbm>>
    %dma_start3A_281 = tpu.memref_squeeze %dma_start3A_280 : memref<1x32x768xf32, #tpu.memory_space<hbm>> -> memref<32x768xf32, #tpu.memory_space<hbm>>
    %dma_start3A_282 = arith.constant 0 : i32
    %dma_start3A_283 = arith.constant 0 : i32
    %dma_start3A_284 = tpu.memref_slice %arg6[%dma_start3A_282, %dma_start3A_283] : memref<32x768xf32, #tpu.memory_space<vmem>> -> memref<32x768xf32, #tpu.memory_space<vmem>>
    tpu.enqueue_dma source(%dma_start3A_284 : memref<32x768xf32, #tpu.memory_space<vmem>>) target(%dma_start3A_281 : memref<32x768xf32, #tpu.memory_space<hbm>>) target_semaphore(%arg16 : memref<!tpu.dma_semaphore, #tpu.memory_space<semaphore_mem>>)
    %dma_wait3A_285 = arith.constant 0 : i32
    %dma_wait3A_286 = arith.constant 0 : i32
    %dma_wait3A_287 = tpu.memref_slice %arg7[%dma_wait3A_285, %dma_wait3A_286] : memref<32x768xf32, #tpu.memory_space<vmem>> -> memref<32x768xf32, #tpu.memory_space<vmem>>
    %dma_wait3A_288 = arith.constant 160 : i32
    %dma_wait3A_289 = tpu.memref_slice %arg5[%dma_wait3A_288] : memref<256xi32, #tpu.memory_space<vmem>> -> memref<32xi32, #tpu.memory_space<vmem>>
    %dma_wait3A_290 = arith.constant 0 : i32
    %dma_wait3A_291 = arith.constant 0 : i32
    %dma_wait3A_292 = tpu.memref_slice %arg2[%dma_wait3A_290, %dma_wait3A_291] : memref<50257x768xf32, #tpu.memory_space<hbm>> -> memref<50257x768xf32, #tpu.memory_space<hbm>>
    tpu.wait_indirect_dma semaphore(%arg12 : memref<!tpu.dma_semaphore, #tpu.memory_space<semaphore_mem>>) src(%dma_wait3A_292 : memref<50257x768xf32, #tpu.memory_space<hbm>>) dst(%dma_wait3A_287 : memref<32x768xf32, #tpu.memory_space<vmem>>)
    %add3A_293 = arith.constant 160 : i32
    %add3A_294 = arith.addi %mul3A_32, %add3A_293 : i32
    %dma_start3A_295 = arith.constant 0 : i32
    %dma_start3A_296 = arith.constant 0 : i32
    %dma_start3A_297 = tpu.memref_slice %arg7[%dma_start3A_295, %dma_start3A_296] : memref<32x768xf32, #tpu.memory_space<vmem>> -> memref<32x768xf32, #tpu.memory_space<vmem>>
    %dma_start3A_298 = arith.constant 0 : i32
    %dma_start3A_299 = tpu.memref_slice %arg4[%select_n3A, %add3A_294, %dma_start3A_298] : memref<4x2048x768xf32, #tpu.memory_space<hbm>> -> memref<1x32x768xf32, #tpu.memory_space<hbm>>
    %dma_start3A_300 = tpu.memref_squeeze %dma_start3A_299 : memref<1x32x768xf32, #tpu.memory_space<hbm>> -> memref<32x768xf32, #tpu.memory_space<hbm>>
    %dma_start3A_301 = arith.constant 0 : i32
    %dma_start3A_302 = tpu.memref_slice %arg4[%select_n3A, %add3A_294, %dma_start3A_301] : memref<4x2048x768xf32, #tpu.memory_space<hbm>> -> memref<1x32x768xf32, #tpu.memory_space<hbm>>
    %dma_start3A_303 = tpu.memref_squeeze %dma_start3A_302 : memref<1x32x768xf32, #tpu.memory_space<hbm>> -> memref<32x768xf32, #tpu.memory_space<hbm>>
    %dma_start3A_304 = arith.constant 0 : i32
    %dma_start3A_305 = arith.constant 0 : i32
    %dma_start3A_306 = tpu.memref_slice %arg7[%dma_start3A_304, %dma_start3A_305] : memref<32x768xf32, #tpu.memory_space<vmem>> -> memref<32x768xf32, #tpu.memory_space<vmem>>
    tpu.enqueue_dma source(%dma_start3A_306 : memref<32x768xf32, #tpu.memory_space<vmem>>) target(%dma_start3A_303 : memref<32x768xf32, #tpu.memory_space<hbm>>) target_semaphore(%arg17 : memref<!tpu.dma_semaphore, #tpu.memory_space<semaphore_mem>>)
    %dma_wait3A_307 = arith.constant 0 : i32
    %dma_wait3A_308 = arith.constant 0 : i32
    %dma_wait3A_309 = tpu.memref_slice %arg8[%dma_wait3A_307, %dma_wait3A_308] : memref<32x768xf32, #tpu.memory_space<vmem>> -> memref<32x768xf32, #tpu.memory_space<vmem>>
    %dma_wait3A_310 = arith.constant 192 : i32
    %dma_wait3A_311 = tpu.memref_slice %arg5[%dma_wait3A_310] : memref<256xi32, #tpu.memory_space<vmem>> -> memref<32xi32, #tpu.memory_space<vmem>>
    %dma_wait3A_312 = arith.constant 0 : i32
    %dma_wait3A_313 = arith.constant 0 : i32
    %dma_wait3A_314 = tpu.memref_slice %arg2[%dma_wait3A_312, %dma_wait3A_313] : memref<50257x768xf32, #tpu.memory_space<hbm>> -> memref<50257x768xf32, #tpu.memory_space<hbm>>
    tpu.wait_indirect_dma semaphore(%arg13 : memref<!tpu.dma_semaphore, #tpu.memory_space<semaphore_mem>>) src(%dma_wait3A_314 : memref<50257x768xf32, #tpu.memory_space<hbm>>) dst(%dma_wait3A_309 : memref<32x768xf32, #tpu.memory_space<vmem>>)
    %add3A_315 = arith.constant 192 : i32
    %add3A_316 = arith.addi %mul3A_32, %add3A_315 : i32
    %dma_start3A_317 = arith.constant 0 : i32
    %dma_start3A_318 = arith.constant 0 : i32
    %dma_start3A_319 = tpu.memref_slice %arg8[%dma_start3A_317, %dma_start3A_318] : memref<32x768xf32, #tpu.memory_space<vmem>> -> memref<32x768xf32, #tpu.memory_space<vmem>>
    %dma_start3A_320 = arith.constant 0 : i32
    %dma_start3A_321 = tpu.memref_slice %arg4[%select_n3A, %add3A_316, %dma_start3A_320] : memref<4x2048x768xf32, #tpu.memory_space<hbm>> -> memref<1x32x768xf32, #tpu.memory_space<hbm>>
    %dma_start3A_322 = tpu.memref_squeeze %dma_start3A_321 : memref<1x32x768xf32, #tpu.memory_space<hbm>> -> memref<32x768xf32, #tpu.memory_space<hbm>>
    %dma_start3A_323 = arith.constant 0 : i32
    %dma_start3A_324 = tpu.memref_slice %arg4[%select_n3A, %add3A_316, %dma_start3A_323] : memref<4x2048x768xf32, #tpu.memory_space<hbm>> -> memref<1x32x768xf32, #tpu.memory_space<hbm>>
    %dma_start3A_325 = tpu.memref_squeeze %dma_start3A_324 : memref<1x32x768xf32, #tpu.memory_space<hbm>> -> memref<32x768xf32, #tpu.memory_space<hbm>>
    %dma_start3A_326 = arith.constant 0 : i32
    %dma_start3A_327 = arith.constant 0 : i32
    %dma_start3A_328 = tpu.memref_slice %arg8[%dma_start3A_326, %dma_start3A_327] : memref<32x768xf32, #tpu.memory_space<vmem>> -> memref<32x768xf32, #tpu.memory_space<vmem>>
    tpu.enqueue_dma source(%dma_start3A_328 : memref<32x768xf32, #tpu.memory_space<vmem>>) target(%dma_start3A_325 : memref<32x768xf32, #tpu.memory_space<hbm>>) target_semaphore(%arg18 : memref<!tpu.dma_semaphore, #tpu.memory_space<semaphore_mem>>)
    %dma_wait3A_329 = arith.constant 0 : i32
    %dma_wait3A_330 = arith.constant 0 : i32
    %dma_wait3A_331 = tpu.memref_slice %arg9[%dma_wait3A_329, %dma_wait3A_330] : memref<32x768xf32, #tpu.memory_space<vmem>> -> memref<32x768xf32, #tpu.memory_space<vmem>>
    %dma_wait3A_332 = arith.constant 224 : i32
    %dma_wait3A_333 = tpu.memref_slice %arg5[%dma_wait3A_332] : memref<256xi32, #tpu.memory_space<vmem>> -> memref<32xi32, #tpu.memory_space<vmem>>
    %dma_wait3A_334 = arith.constant 0 : i32
    %dma_wait3A_335 = arith.constant 0 : i32
    %dma_wait3A_336 = tpu.memref_slice %arg2[%dma_wait3A_334, %dma_wait3A_335] : memref<50257x768xf32, #tpu.memory_space<hbm>> -> memref<50257x768xf32, #tpu.memory_space<hbm>>
    tpu.wait_indirect_dma semaphore(%arg14 : memref<!tpu.dma_semaphore, #tpu.memory_space<semaphore_mem>>) src(%dma_wait3A_336 : memref<50257x768xf32, #tpu.memory_space<hbm>>) dst(%dma_wait3A_331 : memref<32x768xf32, #tpu.memory_space<vmem>>)
    %add3A_337 = arith.constant 224 : i32
    %add3A_338 = arith.addi %mul3A_32, %add3A_337 : i32
    %dma_start3A_339 = arith.constant 0 : i32
    %dma_start3A_340 = arith.constant 0 : i32
    %dma_start3A_341 = tpu.memref_slice %arg9[%dma_start3A_339, %dma_start3A_340] : memref<32x768xf32, #tpu.memory_space<vmem>> -> memref<32x768xf32, #tpu.memory_space<vmem>>
    %dma_start3A_342 = arith.constant 0 : i32
    %dma_start3A_343 = tpu.memref_slice %arg4[%select_n3A, %add3A_338, %dma_start3A_342] : memref<4x2048x768xf32, #tpu.memory_space<hbm>> -> memref<1x32x768xf32, #tpu.memory_space<hbm>>
    %dma_start3A_344 = tpu.memref_squeeze %dma_start3A_343 : memref<1x32x768xf32, #tpu.memory_space<hbm>> -> memref<32x768xf32, #tpu.memory_space<hbm>>
    %dma_start3A_345 = arith.constant 0 : i32
    %dma_start3A_346 = tpu.memref_slice %arg4[%select_n3A, %add3A_338, %dma_start3A_345] : memref<4x2048x768xf32, #tpu.memory_space<hbm>> -> memref<1x32x768xf32, #tpu.memory_space<hbm>>
    %dma_start3A_347 = tpu.memref_squeeze %dma_start3A_346 : memref<1x32x768xf32, #tpu.memory_space<hbm>> -> memref<32x768xf32, #tpu.memory_space<hbm>>
    %dma_start3A_348 = arith.constant 0 : i32
    %dma_start3A_349 = arith.constant 0 : i32
    %dma_start3A_350 = tpu.memref_slice %arg9[%dma_start3A_348, %dma_start3A_349] : memref<32x768xf32, #tpu.memory_space<vmem>> -> memref<32x768xf32, #tpu.memory_space<vmem>>
    tpu.enqueue_dma source(%dma_start3A_350 : memref<32x768xf32, #tpu.memory_space<vmem>>) target(%dma_start3A_347 : memref<32x768xf32, #tpu.memory_space<hbm>>) target_semaphore(%arg19 : memref<!tpu.dma_semaphore, #tpu.memory_space<semaphore_mem>>)
    %dma_wait3A_351 = arith.constant 0 : i32
    %dma_wait3A_352 = arith.constant 0 : i32
    %dma_wait3A_353 = tpu.memref_slice %arg10[%dma_wait3A_351, %dma_wait3A_352] : memref<32x768xf32, #tpu.memory_space<vmem>> -> memref<32x768xf32, #tpu.memory_space<vmem>>
    %dma_wait3A_354 = arith.constant 0 : i32
    %dma_wait3A_355 = tpu.memref_slice %arg4[%select_n3A, %add3A_250, %dma_wait3A_354] : memref<4x2048x768xf32, #tpu.memory_space<hbm>> -> memref<1x32x768xf32, #tpu.memory_space<hbm>>
    %dma_wait3A_356 = tpu.memref_squeeze %dma_wait3A_355 : memref<1x32x768xf32, #tpu.memory_space<hbm>> -> memref<32x768xf32, #tpu.memory_space<hbm>>
    %dma_wait3A_357 = arith.constant 0 : i32
    %dma_wait3A_358 = tpu.memref_slice %arg4[%select_n3A, %add3A_250, %dma_wait3A_357] : memref<4x2048x768xf32, #tpu.memory_space<hbm>> -> memref<1x32x768xf32, #tpu.memory_space<hbm>>
    %dma_wait3A_359 = tpu.memref_squeeze %dma_wait3A_358 : memref<1x32x768xf32, #tpu.memory_space<hbm>> -> memref<32x768xf32, #tpu.memory_space<hbm>>
    %dma_wait3A_360 = arith.constant 0 : i32
    %dma_wait3A_361 = arith.constant 0 : i32
    %dma_wait3A_362 = tpu.memref_slice %arg10[%dma_wait3A_360, %dma_wait3A_361] : memref<32x768xf32, #tpu.memory_space<vmem>> -> memref<32x768xf32, #tpu.memory_space<vmem>>
    tpu.wait_dma2 semaphore(%arg20 : memref<!tpu.dma_semaphore, #tpu.memory_space<semaphore_mem>>) src(%dma_wait3A_362 : memref<32x768xf32, #tpu.memory_space<vmem>>) dst(%dma_wait3A_359 : memref<32x768xf32, #tpu.memory_space<hbm>>)
    %dma_wait3A_363 = arith.constant 0 : i32
    %dma_wait3A_364 = arith.constant 0 : i32
    %dma_wait3A_365 = tpu.memref_slice %arg6[%dma_wait3A_363, %dma_wait3A_364] : memref<32x768xf32, #tpu.memory_space<vmem>> -> memref<32x768xf32, #tpu.memory_space<vmem>>
    %dma_wait3A_366 = arith.constant 0 : i32
    %dma_wait3A_367 = tpu.memref_slice %arg4[%select_n3A, %add3A_272, %dma_wait3A_366] : memref<4x2048x768xf32, #tpu.memory_space<hbm>> -> memref<1x32x768xf32, #tpu.memory_space<hbm>>
    %dma_wait3A_368 = tpu.memref_squeeze %dma_wait3A_367 : memref<1x32x768xf32, #tpu.memory_space<hbm>> -> memref<32x768xf32, #tpu.memory_space<hbm>>
    %dma_wait3A_369 = arith.constant 0 : i32
    %dma_wait3A_370 = tpu.memref_slice %arg4[%select_n3A, %add3A_272, %dma_wait3A_369] : memref<4x2048x768xf32, #tpu.memory_space<hbm>> -> memref<1x32x768xf32, #tpu.memory_space<hbm>>
    %dma_wait3A_371 = tpu.memref_squeeze %dma_wait3A_370 : memref<1x32x768xf32, #tpu.memory_space<hbm>> -> memref<32x768xf32, #tpu.memory_space<hbm>>
    %dma_wait3A_372 = arith.constant 0 : i32
    %dma_wait3A_373 = arith.constant 0 : i32
    %dma_wait3A_374 = tpu.memref_slice %arg6[%dma_wait3A_372, %dma_wait3A_373] : memref<32x768xf32, #tpu.memory_space<vmem>> -> memref<32x768xf32, #tpu.memory_space<vmem>>
    tpu.wait_dma2 semaphore(%arg16 : memref<!tpu.dma_semaphore, #tpu.memory_space<semaphore_mem>>) src(%dma_wait3A_374 : memref<32x768xf32, #tpu.memory_space<vmem>>) dst(%dma_wait3A_371 : memref<32x768xf32, #tpu.memory_space<hbm>>)
    %dma_wait3A_375 = arith.constant 0 : i32
    %dma_wait3A_376 = arith.constant 0 : i32
    %dma_wait3A_377 = tpu.memref_slice %arg7[%dma_wait3A_375, %dma_wait3A_376] : memref<32x768xf32, #tpu.memory_space<vmem>> -> memref<32x768xf32, #tpu.memory_space<vmem>>
    %dma_wait3A_378 = arith.constant 0 : i32
    %dma_wait3A_379 = tpu.memref_slice %arg4[%select_n3A, %add3A_294, %dma_wait3A_378] : memref<4x2048x768xf32, #tpu.memory_space<hbm>> -> memref<1x32x768xf32, #tpu.memory_space<hbm>>
    %dma_wait3A_380 = tpu.memref_squeeze %dma_wait3A_379 : memref<1x32x768xf32, #tpu.memory_space<hbm>> -> memref<32x768xf32, #tpu.memory_space<hbm>>
    %dma_wait3A_381 = arith.constant 0 : i32
    %dma_wait3A_382 = tpu.memref_slice %arg4[%select_n3A, %add3A_294, %dma_wait3A_381] : memref<4x2048x768xf32, #tpu.memory_space<hbm>> -> memref<1x32x768xf32, #tpu.memory_space<hbm>>
    %dma_wait3A_383 = tpu.memref_squeeze %dma_wait3A_382 : memref<1x32x768xf32, #tpu.memory_space<hbm>> -> memref<32x768xf32, #tpu.memory_space<hbm>>
    %dma_wait3A_384 = arith.constant 0 : i32
    %dma_wait3A_385 = arith.constant 0 : i32
    %dma_wait3A_386 = tpu.memref_slice %arg7[%dma_wait3A_384, %dma_wait3A_385] : memref<32x768xf32, #tpu.memory_space<vmem>> -> memref<32x768xf32, #tpu.memory_space<vmem>>
    tpu.wait_dma2 semaphore(%arg17 : memref<!tpu.dma_semaphore, #tpu.memory_space<semaphore_mem>>) src(%dma_wait3A_386 : memref<32x768xf32, #tpu.memory_space<vmem>>) dst(%dma_wait3A_383 : memref<32x768xf32, #tpu.memory_space<hbm>>)
    %dma_wait3A_387 = arith.constant 0 : i32
    %dma_wait3A_388 = arith.constant 0 : i32
    %dma_wait3A_389 = tpu.memref_slice %arg8[%dma_wait3A_387, %dma_wait3A_388] : memref<32x768xf32, #tpu.memory_space<vmem>> -> memref<32x768xf32, #tpu.memory_space<vmem>>
    %dma_wait3A_390 = arith.constant 0 : i32
    %dma_wait3A_391 = tpu.memref_slice %arg4[%select_n3A, %add3A_316, %dma_wait3A_390] : memref<4x2048x768xf32, #tpu.memory_space<hbm>> -> memref<1x32x768xf32, #tpu.memory_space<hbm>>
    %dma_wait3A_392 = tpu.memref_squeeze %dma_wait3A_391 : memref<1x32x768xf32, #tpu.memory_space<hbm>> -> memref<32x768xf32, #tpu.memory_space<hbm>>
    %dma_wait3A_393 = arith.constant 0 : i32
    %dma_wait3A_394 = tpu.memref_slice %arg4[%select_n3A, %add3A_316, %dma_wait3A_393] : memref<4x2048x768xf32, #tpu.memory_space<hbm>> -> memref<1x32x768xf32, #tpu.memory_space<hbm>>
    %dma_wait3A_395 = tpu.memref_squeeze %dma_wait3A_394 : memref<1x32x768xf32, #tpu.memory_space<hbm>> -> memref<32x768xf32, #tpu.memory_space<hbm>>
    %dma_wait3A_396 = arith.constant 0 : i32
    %dma_wait3A_397 = arith.constant 0 : i32
    %dma_wait3A_398 = tpu.memref_slice %arg8[%dma_wait3A_396, %dma_wait3A_397] : memref<32x768xf32, #tpu.memory_space<vmem>> -> memref<32x768xf32, #tpu.memory_space<vmem>>
    tpu.wait_dma2 semaphore(%arg18 : memref<!tpu.dma_semaphore, #tpu.memory_space<semaphore_mem>>) src(%dma_wait3A_398 : memref<32x768xf32, #tpu.memory_space<vmem>>) dst(%dma_wait3A_395 : memref<32x768xf32, #tpu.memory_space<hbm>>)
    %dma_wait3A_399 = arith.constant 0 : i32
    %dma_wait3A_400 = arith.constant 0 : i32
    %dma_wait3A_401 = tpu.memref_slice %arg9[%dma_wait3A_399, %dma_wait3A_400] : memref<32x768xf32, #tpu.memory_space<vmem>> -> memref<32x768xf32, #tpu.memory_space<vmem>>
    %dma_wait3A_402 = arith.constant 0 : i32
    %dma_wait3A_403 = tpu.memref_slice %arg4[%select_n3A, %add3A_338, %dma_wait3A_402] : memref<4x2048x768xf32, #tpu.memory_space<hbm>> -> memref<1x32x768xf32, #tpu.memory_space<hbm>>
    %dma_wait3A_404 = tpu.memref_squeeze %dma_wait3A_403 : memref<1x32x768xf32, #tpu.memory_space<hbm>> -> memref<32x768xf32, #tpu.memory_space<hbm>>
    %dma_wait3A_405 = arith.constant 0 : i32
    %dma_wait3A_406 = tpu.memref_slice %arg4[%select_n3A, %add3A_338, %dma_wait3A_405] : memref<4x2048x768xf32, #tpu.memory_space<hbm>> -> memref<1x32x768xf32, #tpu.memory_space<hbm>>
    %dma_wait3A_407 = tpu.memref_squeeze %dma_wait3A_406 : memref<1x32x768xf32, #tpu.memory_space<hbm>> -> memref<32x768xf32, #tpu.memory_space<hbm>>
    %dma_wait3A_408 = arith.constant 0 : i32
    %dma_wait3A_409 = arith.constant 0 : i32
    %dma_wait3A_410 = tpu.memref_slice %arg9[%dma_wait3A_408, %dma_wait3A_409] : memref<32x768xf32, #tpu.memory_space<vmem>> -> memref<32x768xf32, #tpu.memory_space<vmem>>
    tpu.wait_dma2 semaphore(%arg19 : memref<!tpu.dma_semaphore, #tpu.memory_space<semaphore_mem>>) src(%dma_wait3A_410 : memref<32x768xf32, #tpu.memory_space<vmem>>) dst(%dma_wait3A_407 : memref<32x768xf32, #tpu.memory_space<hbm>>)
    return
  }
}

</mosaic_0001>

<sc_bundles>
// kernel: kernel.3.cloned.1.call-start
scs
__scs_entry_jumppad:
0x0: {  	(pc) =	sbr.rel $0x88, $3  }
0x1: {  	(tag) =	ssettag $0x0;
	lr =	simm.s32 $0x1  }
0x2: {  	[smem:$0x3F9F] =	sst lr;
	_ =	strace $0xD0000000  }
0x3: {  	_ = 	snop  }
0x4: {  	_ = 	snop  }
0x5: {  	_ = 	snop  }
0x6: {  	_ = 	snop  }
0x7: {  	_ = 	snop  }
__scs_overlays_trampoline_lowered:
0x8: {  	[smem:$0x3FAE] =	sst s0  }
0x9: {  	[smem:$0x3FAF] =	sst s1  }
0xa: {  	[smem:$0x3FB0] =	sst s2  }
0xb: {  	[smem:$0x3FB1] =	sst s3  }
0xc: {  	[smem:$0x3FB2] =	sst s4  }
0xd: {  	[smem:$0x3FB3] =	sst s5  }
0xe: {  	[smem:$0x3FB4] =	sst s6  }
0xf: {  	[smem:$0x3FB5] =	sst s7  }
0x10: {  	[smem:$0x3FB6] =	sst s8  }
0x11: {  	[smem:$0x3FB7] =	sst s9;
	s0 =	simm.s32 @!p0 $0x0  }
0x12: {  	s1 =	sld [smem:$0x3F9D];
	s0 =	simm.s32 @p0 $0x1  }
0x13: {  	[smem:$0x3FB8] =	sst s0;
	s0 =	simm.s32 @!p1 $0x0  }
0x14: {  	s2 =	sld [smem:$0x3F9C];
	s0 =	simm.s32 @p1 $0x1  }
0x15: {  	[smem:$0x3FB9] =	sst s0;
	s0 =	simm.s32 @!p2 $0x0  }
0x16: {  	s3 =	sld [smem:$0x3FDB];
	s0 =	simm.s32 @p2 $0x1  }
0x17: {  	s4 =	simm.s32 $0x1BF5;
	[smem:$0x3FBB] =	sst s0  }
0x18: {  	s0 =	sld [smem:$0x3F9E];
	_ =	swait.ge [sflag:s4], $0x0  }
0x19: {  	s7 =	sld [smem:$0x3F9F]  }
0x1a: {  	s8 =	sadd.s32 $0xFFFFE003, lr  }
0x1b: {  	s9 =	sadd.s32 $0xFFFFFEF7, lr;
	s5 =	simm.s32 $0xFFFFFFFF;
	p2 =	slt.u32 s8, $0xFFFFF086  }
0x1c: {  	p1 =	slt.u32 s9, $0xF7A;
	s5 =	simm.s32 @!p2 $0x0  }
0x1d: {  	s5 =	simm.s32 @p1 $0x1;
	p0 =	seq.s32 s7, s2  }
0x1e: {  	s7 =	smul.u32 @!p0 $0xF7A, s2;
	p2 =	seq.s32 @!p0 s5, $0x0  }
0x1f: {  	s9 =	smul.u32 $0xF7A, s1;
	s8 =	simm.s32 @!p0 $0x1BF5;
	p2 =	por !p2, p0  }
0x20: {  	[sflag:s8] =	ssyncset.s32 @!p0 $0xFFFFF086;
	s6 =	sadd.s32 @!p0 s3, s7;
	s7 =	simm.s32 @!p0 $0x108  }
0x21: {  	s3 =	sadd.s32 s3, s9;
	s6 =	sadd.s32 @!p0 $0x88, s6;
	s7 =	simm.s32 @p2 $0x1082  }
0x22: {  	[simem:s7], [sflag:s8] =	dma.local @!p0 [hbm:s6], $0xF7A  }
0x23: {  	s9 =	sor.u32 $0xD0000000, s2;
	s6 =	simm.s32 $0x108;
	_ =	swait.ge @!p0 [sflag:s8], $0x0  }
0x24: {  	s3 =	sadd.s32 $0x88, s3;
	s6 =	simm.s32 @!p1 $0x1082;
	[sflag:s4] =	ssyncset.s32 $0xFFFFF086  }
0x25: {  	[simem:s6], [sflag:s4] =	dma.local [hbm:s3], $0xF7A  }
0x26: {  	[smem:$0x3F9F] =	sst s1;
	(tag) =	ssettag s2;
	_ =	strace s9  }
0x27: {  	s1 =	sld [smem:$0x3FAF]  }
0x28: {  	s2 =	sld [smem:$0x3FB0]  }
0x29: {  	s4 =	sld [smem:$0x3FB2]  }
0x2a: {  	p0 =	seq.s32 s5, $0x0;
	s5 =	sld [smem:$0x3FB3]  }
0x2b: {  	s6 =	sld [smem:$0x3FB4]  }
0x2c: {  	s7 =	sld [smem:$0x3FB5]  }
0x2d: {  	s3 =	simm.s32 $0x108;
	s8 =	sld [smem:$0x3FB6]  }
0x2e: {  	s3 =	simm.s32 @!p0 $0x1082;
	s9 =	sld [smem:$0x3FB7]  }
0x2f: {  	lr =	sadd.s32 s0, s3;
	s0 =	sld [smem:$0x3FAE]  }
0x30: {  	s3 =	sld [smem:$0x3FB1]  }
0x31: {  	[smem:$0x3FBA] =	sst s10  }
0x32: {  	s10 =	sld [smem:$0x3FB8];
	_ =	sdelay $0x3  }
0x33: {  	p0 =	seq.s32 s10, $0x1;
	s10 =	sld [smem:$0x3FBA];
	_ =	sdelay $0x3  }
0x34: {  	[smem:$0x3FBA] =	sst s10  }
0x35: {  	s10 =	sld [smem:$0x3FB9];
	_ =	sdelay $0x3  }
0x36: {  	p1 =	seq.s32 s10, $0x1;
	s10 =	sld [smem:$0x3FBA];
	_ =	sdelay $0x3  }
0x37: {  	[smem:$0x3FBA] =	sst s10  }
0x38: {  	s10 =	sld [smem:$0x3FBB]  }
0x39: {  	_ = 	snop;
	(pc) =	sbr.ind lr, $3  }
0x3a: {  	_ = 	snop  }
0x3b: {  	_ = 	snop  }
0x3c: {  	p2 =	seq.s32 s10, $0x1;
	s10 =	sld [smem:$0x3FBA]  }
0x3d: {  	_ =	shalt  }
0x3e: {  	_ =	shalt  }
0x3f: {  	_ =	shalt  }
0x40: {  	_ =	shalt  }
0x41: {  	_ =	shalt  }
0x42: {  	_ =	shalt  }
0x43: {  	_ =	shalt  }
0x44: {  	_ =	shalt  }
0x45: {  	_ =	shalt  }
0x46: {  	_ =	shalt  }
0x47: {  	_ =	shalt  }
0x48: {  	_ =	shalt  }
0x49: {  	_ =	shalt  }
0x4a: {  	_ =	shalt  }
0x4b: {  	_ =	shalt  }
0x4c: {  	_ =	shalt  }
0x4d: {  	_ =	shalt  }
0x4e: {  	_ =	shalt  }
0x4f: {  	_ =	shalt  }
0x50: {  	_ =	shalt  }
0x51: {  	_ =	shalt  }
0x52: {  	_ =	shalt  }
0x53: {  	_ =	shalt  }
0x54: {  	_ =	shalt  }
0x55: {  	_ =	shalt  }
0x56: {  	_ =	shalt  }
0x57: {  	_ =	shalt  }
0x58: {  	_ =	shalt  }
0x59: {  	_ =	shalt  }
0x5a: {  	_ =	shalt  }
0x5b: {  	_ =	shalt  }
0x5c: {  	_ =	shalt  }
0x5d: {  	_ =	shalt  }
0x5e: {  	_ =	shalt  }
0x5f: {  	_ =	shalt  }
0x60: {  	_ =	shalt  }
0x61: {  	_ =	shalt  }
0x62: {  	_ =	shalt  }
0x63: {  	_ =	shalt  }
0x64: {  	_ =	shalt  }
0x65: {  	_ =	shalt  }
0x66: {  	_ =	shalt  }
0x67: {  	_ =	shalt  }
0x68: {  	_ =	shalt  }
0x69: {  	_ =	shalt  }
0x6a: {  	_ =	shalt  }
0x6b: {  	_ =	shalt  }
0x6c: {  	_ =	shalt  }
0x6d: {  	_ =	shalt  }
0x6e: {  	_ =	shalt  }
0x6f: {  	_ =	shalt  }
0x70: {  	_ =	shalt  }
0x71: {  	_ =	shalt  }
0x72: {  	_ =	shalt  }
0x73: {  	_ =	shalt  }
0x74: {  	_ =	shalt  }
0x75: {  	_ =	shalt  }
0x76: {  	_ =	shalt  }
0x77: {  	_ =	shalt  }
0x78: {  	_ =	shalt  }
0x79: {  	_ =	shalt  }
0x7a: {  	_ =	shalt  }
0x7b: {  	_ =	shalt  }
0x7c: {  	_ =	shalt  }
0x7d: {  	_ =	shalt  }
0x7e: {  	_ =	shalt  }
0x7f: {  	_ =	shalt  }
0x80: {  	_ =	shalt  }
0x81: {  	_ =	shalt  }
0x82: {  	_ =	shalt  }
0x83: {  	_ =	shalt  }
0x84: {  	_ =	shalt  }
0x85: {  	_ =	shalt  }
0x86: {  	_ =	shalt  }
0x87: {  	_ =	shalt  }
.Lfunc_end0:
.L_simem_size_0:
called_computation_lowered:
.L_overlay_start_0:
0x88: {  	s2 =	sld [smem:$0x3FD9]  }
0x89: {  	s3 =	sld [smem:$0x3FFE];
	_ =	sdelay $0x1  }
0x8a: {  	s1 =	srdreg.scid  }
0x8b: {  	s0 =	sand.u32 $0x1, s1  }
0x8c: {  	s18 =	sshll.u32 s0, $0xA;
	s2 =	sadd.s32 s3, s2  }
0x8d: {  	s2 =	sadd.s32 s2, s18  }
0x8e: {  	[smem:$0x3FC6] =	sst s2  }
0x8f: {  	_ = 	snop  }
0x90: {  	s2 =	sld [smem:$0x3FC9]  }
0x91: {  	s19 =	sld [smem:$0x3FC8]  }
0x92: {  	s4 =	sld [smem:$0x3FD0];
	(tm) =	ssettm $0x1  }
0x93: {  	s5 =	sld [smem:$0x3FFB];
	_ =	sdelay $0x3  }
0x94: {  	_ =	strace s5  }
0x95: {  	s5 =	sld [smem:$0x3FFC];
	_ =	sdelay $0x3  }
0x96: {  	_ =	strace s5  }
0x97: {  	s5 =	sld [smem:$0x3FFD];
	_ =	sdelay $0x3  }
0x98: {  	_ =	strace s5  }
0x99: {  	_ =	strace $0x8FFFFFFF  }
0x9a: {  	s20 =	sld [smem:$0x3FDB];
	_ =	sdelay $0x1  }
0x9b: {  	s6 =	simm.s32 $_scs_section_size  }
0x9c: {  	s7 =	simm.s32 $_size__tile_overlayer_lowered;
	s8 =	simm.s32 $_tile_overlayer_lowered  }
0x9d: {  	s23 =	simm.s32 $0x1BFF;
	s22 =	sshll.u32 s8, $0x1;
	s5 =	sadd.s32 s6, s20  }
0x9e: {  	s9 =	simm.s32 $0x0;
	s21 =	sshll.u32 s7, $0x1;
	s7 =	sadd.s32 s22, s5  }
0x9f: {  	[timem:s9], [sflag:s23] =	dma.local [hbm:s7], s21  }
0xa0: {  	_ =	swait.ge [sflag:s23], s21  }
0xa1: {  	s6 =	ssub.s32 $0x0, s21;
	[sflag:s23] =	ssyncset.done $0x0  }
0xa2: {  	[sflag:s23] =	ssyncadd.s32 s6;
	_ =	sdelay $0x1  }
0xa3: {  	s24 =	simm.s32 $0x1B8B  }
0xa4: {  	_ =	swait.ge [sflag:s24], $0x1  }
0xa5: {  	[sflag:s24] =	ssyncset.done $0x0  }
0xa6: {  	s25 =	simm.s32 $0x1B8E;
	[sflag:s24] =	ssyncadd.s32 $0xFFFFFFFF  }
0xa7: {  	s26 =	simm.s32 $execute0_lowered;
	[smem:$0x3FD2] =	sst s25  }
0xa8: {  	s6 =	sshll.u32 s26, $0x1;
	_ =	strace $0x80000046;
	[dreg:$0x1] =	wrdreg $0xFFFFFFFF  }
0xa9: {  	s28 =	simm.s32 $_size_execute0_lowered;
	s5 =	sadd.s32 s5, s6;
	[dreg:$0x0] =	wrdreg $0x0  }
0xaa: {  	s6 =	sshll.u32 s28, $0x1;
	[dreg:$0x2] =	wrdreg s5  }
0xab: {  	[dreg:$0x3] =	wrdreg s6  }
0xac: {  	[dreg:$0x4] =	wrdreg $0xC0  }
0xad: {  	_ =	task [dreg:s9], $0x5FFFF  }
0xae: {  	[dreg:$0x1] =	wrdreg $0xFFFFFFFF  }
0xaf: {  	[dreg:$0x0] =	wrdreg $0x60  }
0xb0: {  	[dreg:$0x2] =	wrdreg s19  }
0xb1: {  	[dreg:$0x3] =	wrdreg s2  }
0xb2: {  	[dreg:$0x4] =	wrdreg s4  }
0xb3: {  	[dreg:$0x5] =	wrdreg $0x9  }
0xb4: {  	_ =	task.clear_ibuf [dreg:s9], $0x6FFFF;
	_ =	strace $0x90000046  }
0xb5: {  	s29 =	simm.s32 $0x9;
	_ =	strace $0x80000048  }
0xb6: {  	_ =	swait.ge [sflag:s29], $0x1  }
0xb7: {  	[sflag:s29] =	ssyncadd.s32 $0xFFFFFFFF  }
0xb8: {  	_ =	strace $0x90000048  }
0xb9: {  	_ =	sfence  }
0xba: {  	s30 =	sld [smem:$0x0];
	_ =	sdelay $0x2  }
0xbb: {  	s31 =	sshll.u32 s1, $0xD;
	s1 =	sshrl.u32 s1, $0x2  }
0xbc: {  	s3 =	sand.u32 $0x4000, s31;
	s1 =	sadd.s32 s1, s30  }
0xbd: {  	s0 =	sor.u32 s3, s0;
	s1 =	sshll.u32 s1, $0x11  }
0xbe: {  	s0 =	sor.u32 s1, s0  }
0xbf: {  	s0 =	sadd.s32 $0x8F2B, s0  }
0xc0: {  	[sflag:s0] =	ssyncadd.remote.s32 $0x1  }
0xc1: {  	_ =	sfence.sel $0xFFFF  }
0xc2: {  	[dreg:$0x0] =	wrdreg $0xFFFFFFFF;
	(pc) =	sbr.abs _section_cstart, $3  }
0xc3: {  	[dreg:$0x1] =	wrdreg $0xFFFFFFFF  }
0xc4: {  	_ =	task.clear_ibuf [dreg:s9], $0x2FFFF;
	_ =	strace $0x9FFFFFFF  }
0xc5: {  	(tm) =	ssettm $0x7FFFFFFF  }
tec
execute0_lowered:
.L_overlay_start_1:
0x0: {  	(tag) =	ssettag $0x1  }
0x1: {  	s1 =	rddreg [dreg:$0x0]  }
0x2: {  	s6 =	stileid.u32;
	s0 =	rddreg [dreg:$0x1]  }
0x3: {  	s2 =	srdreg.scid;
	s4 =	rddreg [dreg:$0x2];
	s25 =	simm.s32 $0x80  }
0x4: {  	s26 =	simm.s32 $0x18900;
	s11 =	simm.s32 $0x1C100;
	s3 =	sshll.u32 s6, $0x1  }
0x5: {  	s12 =	simm.s32 $0x1C900;
	s5 =	sand.u32 $0x6, s3;
	s3 =	simm.s32 $0x0  }
0x6: {  	s13 =	simm.s32 $0x1D100;
	s2 =	sand.u32 $0x1, s2;
	[smem:$0x7FF] =	sst s3  }
0x7: {  	s6 =	sshrl.u32 s6, $0x2;
	_ =	strace $0x80000047;
	[dreg:$0xe] =	wrdreg s25  }
0x8: {  	s9 =	sshll.u32 s6, $0x7;
	s5 =	sor.u32 s2, s5;
	[dreg:$0xf] =	wrdreg s26  }
0x9: {  	s6 =	smul.u32 $0x180000, s6;
	s7 =	sshll.u32 s5, $0x8;
	[dreg:$0x16] =	wrdreg s11  }
0xa: {  	s8 =	sshll.u32 s5, $0xA;
	s5 =	smul.u32 $0x30000, s5;
	[dreg:$0x17] =	wrdreg s12  }
0xb: {  	[dreg:$0x18] =	wrdreg s13;
	s25 =	simm.s32 $0xB100;
	s26 =	simm.s32 $0xB900  }
0xc: {  	s8 =	sor.u32 s9, s8;
	s7 =	sor.u32 $0x80, s7;
	[smem:$0x7FC] =	sst s25  }
0xd: {  	[smem:$0x7FD] =	sst s26;
	s8 =	sshrl.u32 s8, $0x3;
	s10 =	sshll.u32 s7, $0x2  }
0xe: {  	s5 =	sadd.s32 s6, s5;
	s16 =	sshrl.u32 s7, $0x3;
	s7 =	simm.s32 $0x1A100  }
0xf: {  	s8 =	sadd.s32 s0, s8;
	s9 =	sor.u32 s9, s10;
	[dreg:$0x12] =	wrdreg s7  }
0x10: {  	s5 =	sshrl.u32 s5, $0x3;
	s10 =	simm.s32 $0x1B900;
	[dreg:$0x4] =	wrdreg s8  }
0x11: {  	s15 =	sadd.s32 s4, s5;
	[dreg:$0x15] =	wrdreg s10  }
0x12: {  	s8 =	simm.s32 $0x1A900;
	[smem:$0x7F7] =	sst s15  }
0x13: {  	s14 =	sshrl.u32 s9, $0x3;
	s9 =	simm.s32 $0x1B100;
	[dreg:$0x13] =	wrdreg s8  }
0x14: {  	s5 =	smul.u32 $0x1800, s16;
	s16 =	simm.s32 $0x3900;
	[dreg:$0x14] =	wrdreg s9  }
0x15: {  	s0 =	sadd.s32 s0, s14;
	[dreg:$0x1b] =	wrdreg s16  }
0x16: {  	s17 =	sadd.s32 $0x600, s15;
	[dreg:$0x5] =	wrdreg s0  }
0x17: {  	s18 =	sadd.s32 $0xC00, s15;
	[dreg:$0x6] =	wrdreg s17  }
0x18: {  	s28 =	simm.s32 $0x7;
	s19 =	sadd.s32 $0x1800, s15;
	[dreg:$0x7] =	wrdreg s18  }
0x19: {  	s29 =	simm.s32 $0x3;
	s20 =	sadd.s32 $0x2400, s15;
	[dreg:$0x8] =	wrdreg s19  }
0x1a: {  	s30 =	simm.s32 $0x8;
	s22 =	sadd.s32 $0x3C00, s15;
	[dreg:$0x9] =	wrdreg s20  }
0x1b: {  	s31 =	simm.s32 $0x4;
	s23 =	sadd.s32 $0x4800, s15;
	[dreg:$0xb] =	wrdreg s22  }
0x1c: {  	s2 =	ssub.s32 $0x2, s2;
	s24 =	sadd.s32 $0x5400, s15;
	[dreg:$0xc] =	wrdreg s23  }
0x1d: {  	s26 =	simm.s32 $0x6;
	s14 =	simm.s32 $0x1D900;
	[dreg:$0xd] =	wrdreg s24  }
0x1e: {  	s25 =	simm.s32 $0x12100;
	s15 =	simm.s32 $0x3100;
	[dreg:$0x19] =	wrdreg s14  }
0x1f: {  	s5 =	sadd.s32 s6, s5;
	s6 =	simm.s32 $0x19900;
	[dreg:$0x1a] =	wrdreg s15  }
0x20: {  	s10 =	simm.s32 $0xC100;
	s17 =	simm.s32 $0x4100;
	[dreg:$0x11] =	wrdreg s6  }
0x21: {  	s9 =	simm.s32 $0x1;
	s18 =	simm.s32 $0x4900;
	[dreg:$0x1c] =	wrdreg s17  }
0x22: {  	s16 =	simm.s32 $0x1100;
	s19 =	simm.s32 $0x5100;
	[dreg:$0x1d] =	wrdreg s18  }
0x23: {  	s20 =	simm.s32 $0x5900;
	s22 =	simm.s32 $0x9900;
	[dreg:$0x1e] =	wrdreg s19  }
0x24: {  	s23 =	simm.s32 $0xA100;
	s24 =	simm.s32 $0xA900;
	[dreg:$0x1f] =	wrdreg s20  }
0x25: {  	s15 =	simm.s32 $0x100;
	s14 =	simm.s32 $0x900;
	[smem:$0x7F9] =	sst s22  }
0x26: {  	s5 =	sshrl.u32 s5, $0x3;
	s6 =	sadd.s32 $0x200, s1;
	[smem:$0x7FA] =	sst s23  }
0x27: {  	[smem:$0x7FB] =	sst s24;
	s17 =	simm.s32 $0x1900;
	s18 =	simm.s32 $0x2100  }
0x28: {  	s19 =	simm.s32 $0x2900;
	s20 =	simm.s32 $0x6900;
	s22 =	simm.s32 $0x7100  }
0x29: {  	s23 =	simm.s32 $0x7900;
	s24 =	simm.s32 $0x8100;
	s21 =	sadd.s32 s4, s5  }
0x2a: {  	s4 =	simm.s32 $0x19100;
	s5 =	sshrl.u32 s2, $0x1;
	[dreg:$0xa] =	wrdreg s21  }
0x2b: {  	v2 =	vlaneseq.u32;
	[dreg:$0x10] =	wrdreg s4;
	s2 =	ssub.s32 s2, s5;
	s5 =	sadd.s32 $0x100, s1  }
0x2c: {  	vm0 =	vmmov $0xffff;
	v1 =	vshrl.u32 v2, $0x3;
	s21 =	simm.s32 $0x9100;
	s4 =	simm.s32 $0x2;
	s7 =	smax.u32 s2, $0x1  }
0x2d: {  	v0 =	vand.u32 $0x7, v2;
	v2 =	vor.u32 $0x8, v2;
	v1 =	vmul.u32 $0x8, v1;
	[smem:$0x7F8] =	sst s21;
	s2 =	simm.s32 $0x9;
	s21 =	simm.s32 $0x6100  }
.LBB2_1:
0x2e: {  	s12 =	rddreg [dreg:$0x4];
	s0 =	simm.s32 $0xB  }
0x2f: {  	[tilespmem:s3], [sflag:$0xB] =	stream.linear.gather [hbm4b:s12+s3], $0x80, $0x38;
	[tilespmem:$0x1E100] =	vst v63  }
0x30: {  	_ =	swait.ge [sflag:s0], $0x80  }
0x31: {  	[sflag:s0] =	ssyncset.done $0x0  }
0x32: {  	[sflag:s0] =	ssyncadd.s32 $0xFFFFFF80  }
0x33: {  	v3 =	vld [tilespmem:$0x0];
	_ =	sdelay $0x4  }
0x34: {  	v4 =	vshrl.u32 v3, $0x3  }
0x35: {  	v4 =	vmul.u32 $0x30, v4  }
0x36: {  	v3 =	vand.u32 $0x7, v3  }
0x37: {  	v3 =	vor.u32 v3, v4  }
0x38: {  	v4 =	vperm.xlane v3, v0;
	_ =	sdelay $0x1  }
0x39: {  	v4 =	vadd.s32 v1, v4;
	_ =	sdelay $0x3  }
0x3a: {  	v3 =	vperm.xlane v3, v2  }
0x3b: {  	[tilespmem:s15], [sflag:$0x1] =	stream.indirect_vreg.gather [hbm4b:s1+s3], $0x80, v4, vm0, $0xb8;
	[tilespmem:$0x1E100] =	vst v63  }
0x3c: {  	v3 =	vadd.s32 v1, v3  }
0x3d: {  	[tilespmem:s14], [sflag:$0x1] =	stream.indirect_vreg.gather [hbm4b:s5+s3], $0x80, v4, vm0, $0xb8;
	[tilespmem:$0x1E100] =	vst v63  }
0x3e: {  	_ = 	snop  }
0x3f: {  	[tilespmem:s16], [sflag:$0x1] =	stream.indirect_vreg.gather [hbm4b:s6+s3], $0x80, v4, vm0, $0xb8;
	[tilespmem:$0x1E100] =	vst v63  }
0x40: {  	_ = 	snop  }
0x41: {  	[tilespmem:s17], [sflag:$0x1] =	stream.indirect_vreg.gather [hbm4b:s1+s3], $0x80, v3, vm0, $0xb8;
	[tilespmem:$0x1E100] =	vst v63  }
0x42: {  	_ = 	snop  }
0x43: {  	[tilespmem:s18], [sflag:$0x1] =	stream.indirect_vreg.gather [hbm4b:s5+s3], $0x80, v3, vm0, $0xb8;
	[tilespmem:$0x1E100] =	vst v63  }
0x44: {  	_ = 	snop  }
0x45: {  	[tilespmem:s19], [sflag:$0x1] =	stream.indirect_vreg.gather [hbm4b:s6+s3], $0x80, v3, vm0, $0xb8;
	[tilespmem:$0x1E100] =	vst v63  }
0x46: {  	v3 =	vld [tilespmem:$0x10];
	_ =	sdelay $0x4  }
0x47: {  	v49 =	vshrl.u32 v3, $0x3  }
0x48: {  	v4 =	vmul.u32 $0x30, v49  }
0x49: {  	v3 =	vand.u32 $0x7, v3  }
0x4a: {  	v3 =	vor.u32 v3, v4  }
0x4b: {  	v4 =	vperm.xlane v3, v0;
	_ =	sdelay $0x1  }
0x4c: {  	v4 =	vadd.s32 v1, v4;
	_ =	sdelay $0x3  }
0x4d: {  	v3 =	vperm.xlane v3, v2  }
0x4e: {  	[tilespmem:s21], [sflag:$0x2] =	stream.indirect_vreg.gather [hbm4b:s1+s3], $0x80, v4, vm0, $0xb8;
	[tilespmem:$0x1E100] =	vst v63  }
0x4f: {  	v3 =	vadd.s32 v1, v3  }
0x50: {  	[tilespmem:s20], [sflag:$0x2] =	stream.indirect_vreg.gather [hbm4b:s5+s3], $0x80, v4, vm0, $0xb8;
	[tilespmem:$0x1E100] =	vst v63  }
0x51: {  	_ = 	snop  }
0x52: {  	[tilespmem:s22], [sflag:$0x2] =	stream.indirect_vreg.gather [hbm4b:s6+s3], $0x80, v4, vm0, $0xb8;
	[tilespmem:$0x1E100] =	vst v63  }
0x53: {  	_ = 	snop  }
0x54: {  	[tilespmem:s23], [sflag:$0x2] =	stream.indirect_vreg.gather [hbm4b:s1+s3], $0x80, v3, vm0, $0xb8;
	[tilespmem:$0x1E100] =	vst v63  }
0x55: {  	_ = 	snop  }
0x56: {  	[tilespmem:s24], [sflag:$0x2] =	stream.indirect_vreg.gather [hbm4b:s5+s3], $0x80, v3, vm0, $0xb8;
	[tilespmem:$0x1E100] =	vst v63  }
0x57: {  	s8 =	simm.s32 $0x8900  }
0x58: {  	[tilespmem:s8], [sflag:$0x2] =	stream.indirect_vreg.gather [hbm4b:s6+s3], $0x80, v3, vm0, $0xb8;
	[tilespmem:$0x1E100] =	vst v63  }
0x59: {  	v3 =	vld [tilespmem:$0x20];
	_ =	sdelay $0x4  }
0x5a: {  	v50 =	vshrl.u32 v3, $0x3  }
0x5b: {  	v4 =	vmul.u32 $0x30, v50  }
0x5c: {  	v3 =	vand.u32 $0x7, v3  }
0x5d: {  	v3 =	vor.u32 v3, v4  }
0x5e: {  	v4 =	vperm.xlane v3, v0;
	_ =	sdelay $0x1  }
0x5f: {  	v4 =	vadd.s32 v1, v4;
	_ =	sdelay $0x3  }
0x60: {  	v3 =	vperm.xlane v3, v2  }
0x61: {  	[tilespmem:s10], [sflag:$0x3] =	stream.indirect_vreg.gather [hbm4b:s1+s3], $0x80, v4, vm0, $0xb8;
	[tilespmem:$0x1E100] =	vst v63  }
0x62: {  	s11 =	simm.s32 $0xC900;
	v3 =	vadd.s32 v1, v3  }
0x63: {  	[tilespmem:s11], [sflag:$0x3] =	stream.indirect_vreg.gather [hbm4b:s5+s3], $0x80, v4, vm0, $0xb8;
	[tilespmem:$0x1E100] =	vst v63  }
0x64: {  	s13 =	simm.s32 $0xD100  }
0x65: {  	[tilespmem:s13], [sflag:$0x3] =	stream.indirect_vreg.gather [hbm4b:s6+s3], $0x80, v4, vm0, $0xb8;
	[tilespmem:$0x1E100] =	vst v63  }
0x66: {  	s12 =	simm.s32 $0xD900  }
0x67: {  	[tilespmem:s12], [sflag:$0x3] =	stream.indirect_vreg.gather [hbm4b:s1+s3], $0x80, v3, vm0, $0xb8;
	[tilespmem:$0x1E100] =	vst v63  }
0x68: {  	s13 =	simm.s32 $0xE100  }
0x69: {  	[tilespmem:s13], [sflag:$0x3] =	stream.indirect_vreg.gather [hbm4b:s5+s3], $0x80, v3, vm0, $0xb8;
	[tilespmem:$0x1E100] =	vst v63  }
0x6a: {  	s12 =	simm.s32 $0xE900  }
0x6b: {  	[tilespmem:s12], [sflag:$0x3] =	stream.indirect_vreg.gather [hbm4b:s6+s3], $0x80, v3, vm0, $0xb8;
	[tilespmem:$0x1E100] =	vst v63  }
0x6c: {  	v3 =	vld [tilespmem:$0x30];
	_ =	sdelay $0x4  }
0x6d: {  	v51 =	vshrl.u32 v3, $0x3  }
0x6e: {  	v4 =	vmul.u32 $0x30, v51  }
0x6f: {  	v3 =	vand.u32 $0x7, v3  }
0x70: {  	v3 =	vor.u32 v3, v4  }
0x71: {  	v4 =	vperm.xlane v3, v0;
	_ =	sdelay $0x1  }
0x72: {  	v4 =	vadd.s32 v1, v4;
	_ =	sdelay $0x3  }
0x73: {  	s13 =	simm.s32 $0xF100;
	v3 =	vperm.xlane v3, v2  }
0x74: {  	[tilespmem:s13], [sflag:$0x3] =	stream.indirect_vreg.gather [hbm4b:s1+s3], $0x80, v4, vm0, $0xb8;
	[tilespmem:$0x1E100] =	vst v63  }
0x75: {  	s12 =	simm.s32 $0xF900;
	v3 =	vadd.s32 v1, v3  }
0x76: {  	[tilespmem:s12], [sflag:$0x3] =	stream.indirect_vreg.gather [hbm4b:s5+s3], $0x80, v4, vm0, $0xb8;
	[tilespmem:$0x1E100] =	vst v63  }
0x77: {  	s13 =	simm.s32 $0x10100  }
0x78: {  	[tilespmem:s13], [sflag:$0x3] =	stream.indirect_vreg.gather [hbm4b:s6+s3], $0x80, v4, vm0, $0xb8;
	[tilespmem:$0x1E100] =	vst v63  }
0x79: {  	s12 =	simm.s32 $0x10900  }
0x7a: {  	[tilespmem:s12], [sflag:$0x3] =	stream.indirect_vreg.gather [hbm4b:s1+s3], $0x80, v3, vm0, $0xb8;
	[tilespmem:$0x1E100] =	vst v63  }
0x7b: {  	s13 =	simm.s32 $0x11100  }
0x7c: {  	[tilespmem:s13], [sflag:$0x3] =	stream.indirect_vreg.gather [hbm4b:s5+s3], $0x80, v3, vm0, $0xb8;
	[tilespmem:$0x1E100] =	vst v63  }
0x7d: {  	s12 =	simm.s32 $0x11900  }
0x7e: {  	[tilespmem:s12], [sflag:$0x3] =	stream.indirect_vreg.gather [hbm4b:s6+s3], $0x80, v3, vm0, $0xb8;
	[tilespmem:$0x1E100] =	vst v63  }
0x7f: {  	v3 =	vld [tilespmem:$0x40];
	_ =	sdelay $0x4  }
0x80: {  	v52 =	vshrl.u32 v3, $0x3  }
0x81: {  	v4 =	vmul.u32 $0x30, v52  }
0x82: {  	v3 =	vand.u32 $0x7, v3  }
0x83: {  	v3 =	vor.u32 v3, v4  }
0x84: {  	v4 =	vperm.xlane v3, v0;
	_ =	sdelay $0x1  }
0x85: {  	v4 =	vadd.s32 v1, v4;
	_ =	sdelay $0x3  }
0x86: {  	v3 =	vperm.xlane v3, v2  }
0x87: {  	[tilespmem:s25], [sflag:$0x4] =	stream.indirect_vreg.gather [hbm4b:s1+s3], $0x80, v4, vm0, $0xb8;
	[tilespmem:$0x1E100] =	vst v63  }
0x88: {  	s13 =	simm.s32 $0x12900;
	v3 =	vadd.s32 v1, v3  }
0x89: {  	[tilespmem:s13], [sflag:$0x4] =	stream.indirect_vreg.gather [hbm4b:s5+s3], $0x80, v4, vm0, $0xb8;
	[tilespmem:$0x1E100] =	vst v63  }
0x8a: {  	s11 =	simm.s32 $0x13100  }
0x8b: {  	[tilespmem:s11], [sflag:$0x4] =	stream.indirect_vreg.gather [hbm4b:s6+s3], $0x80, v4, vm0, $0xb8;
	[tilespmem:$0x1E100] =	vst v63  }
0x8c: {  	s13 =	simm.s32 $0x13900  }
0x8d: {  	[tilespmem:s13], [sflag:$0x4] =	stream.indirect_vreg.gather [hbm4b:s1+s3], $0x80, v3, vm0, $0xb8;
	[tilespmem:$0x1E100] =	vst v63  }
0x8e: {  	s11 =	simm.s32 $0x14100  }
0x8f: {  	[tilespmem:s11], [sflag:$0x4] =	stream.indirect_vreg.gather [hbm4b:s5+s3], $0x80, v3, vm0, $0xb8;
	[tilespmem:$0x1E100] =	vst v63  }
0x90: {  	s13 =	simm.s32 $0x14900  }
0x91: {  	[tilespmem:s13], [sflag:$0x4] =	stream.indirect_vreg.gather [hbm4b:s6+s3], $0x80, v3, vm0, $0xb8;
	[tilespmem:$0x1E100] =	vst v63  }
0x92: {  	v3 =	vld [tilespmem:$0x50];
	_ =	sdelay $0x4  }
0x93: {  	v53 =	vshrl.u32 v3, $0x3  }
0x94: {  	v4 =	vmul.u32 $0x30, v53  }
0x95: {  	v3 =	vand.u32 $0x7, v3  }
0x96: {  	v3 =	vor.u32 v3, v4  }
0x97: {  	v4 =	vperm.xlane v3, v0;
	_ =	sdelay $0x1  }
0x98: {  	v4 =	vadd.s32 v1, v4;
	_ =	sdelay $0x3  }
0x99: {  	s11 =	simm.s32 $0x15100;
	v3 =	vperm.xlane v3, v2  }
0x9a: {  	[tilespmem:s11], [sflag:$0x4] =	stream.indirect_vreg.gather [hbm4b:s1+s3], $0x80, v4, vm0, $0xb8;
	[tilespmem:$0x1E100] =	vst v63  }
0x9b: {  	s13 =	simm.s32 $0x15900;
	v3 =	vadd.s32 v1, v3  }
0x9c: {  	[tilespmem:s13], [sflag:$0x4] =	stream.indirect_vreg.gather [hbm4b:s5+s3], $0x80, v4, vm0, $0xb8;
	[tilespmem:$0x1E100] =	vst v63  }
0x9d: {  	s11 =	simm.s32 $0x16100  }
0x9e: {  	[tilespmem:s11], [sflag:$0x4] =	stream.indirect_vreg.gather [hbm4b:s6+s3], $0x80, v4, vm0, $0xb8;
	[tilespmem:$0x1E100] =	vst v63  }
0x9f: {  	s13 =	simm.s32 $0x16900  }
0xa0: {  	[tilespmem:s13], [sflag:$0x4] =	stream.indirect_vreg.gather [hbm4b:s1+s3], $0x80, v3, vm0, $0xb8;
	[tilespmem:$0x1E100] =	vst v63  }
0xa1: {  	s11 =	simm.s32 $0x17100  }
0xa2: {  	[tilespmem:s11], [sflag:$0x4] =	stream.indirect_vreg.gather [hbm4b:s5+s3], $0x80, v3, vm0, $0xb8;
	[tilespmem:$0x1E100] =	vst v63  }
0xa3: {  	s12 =	rddreg [dreg:$0x5];
	s11 =	simm.s32 $0x17900  }
0xa4: {  	[tilespmem:s11], [sflag:$0x4] =	stream.indirect_vreg.gather [hbm4b:s6+s3], $0x80, v3, vm0, $0xb8;
	[tilespmem:$0x1E100] =	vst v63  }
0xa5: {  	s13 =	rddreg [dreg:$0xe]  }
0xa6: {  	[tilespmem:s13], [sflag:$0xB] =	stream.linear.gather [hbm4b:s12+s3], $0x80, $0x38;
	[tilespmem:$0x1E100] =	vst v63  }
0xa7: {  	_ =	swait.ge [sflag:s0], $0x80  }
0xa8: {  	[sflag:s0] =	ssyncset.done $0x0  }
0xa9: {  	[sflag:s0] =	ssyncadd.s32 $0xFFFFFF80  }
0xaa: {  	v3 =	vld [tilespmem:$0x60];
	_ =	sdelay $0x4  }
0xab: {  	v54 =	vshrl.u32 v3, $0x3  }
0xac: {  	v4 =	vmul.u32 $0x30, v54  }
0xad: {  	v3 =	vand.u32 $0x7, v3  }
0xae: {  	v3 =	vor.u32 v3, v4  }
0xaf: {  	v4 =	vperm.xlane v3, v0;
	_ =	sdelay $0x1  }
0xb0: {  	v4 =	vadd.s32 v1, v4;
	_ =	sdelay $0x3  }
0xb1: {  	s0 =	simm.s32 $0x18100;
	v3 =	vperm.xlane v3, v2  }
0xb2: {  	[tilespmem:s0], [sflag:$0x5] =	stream.indirect_vreg.gather [hbm4b:s1+s3], $0x80, v4, vm0, $0xb8;
	[tilespmem:$0x1E100] =	vst v63  }
0xb3: {  	s12 =	rddreg [dreg:$0xf];
	v3 =	vadd.s32 v1, v3  }
0xb4: {  	[tilespmem:s12], [sflag:$0x5] =	stream.indirect_vreg.gather [hbm4b:s5+s3], $0x80, v4, vm0, $0xb8;
	[tilespmem:$0x1E100] =	vst v63  }
0xb5: {  	s13 =	rddreg [dreg:$0x10]  }
0xb6: {  	[tilespmem:s13], [sflag:$0x5] =	stream.indirect_vreg.gather [hbm4b:s6+s3], $0x80, v4, vm0, $0xb8;
	[tilespmem:$0x1E100] =	vst v63  }
0xb7: {  	s12 =	rddreg [dreg:$0x11]  }
0xb8: {  	[tilespmem:s12], [sflag:$0x5] =	stream.indirect_vreg.gather [hbm4b:s1+s3], $0x80, v3, vm0, $0xb8;
	[tilespmem:$0x1E100] =	vst v63  }
0xb9: {  	s13 =	rddreg [dreg:$0x12]  }
0xba: {  	[tilespmem:s13], [sflag:$0x5] =	stream.indirect_vreg.gather [hbm4b:s5+s3], $0x80, v3, vm0, $0xb8;
	[tilespmem:$0x1E100] =	vst v63  }
0xbb: {  	s12 =	rddreg [dreg:$0x13]  }
0xbc: {  	[tilespmem:s12], [sflag:$0x5] =	stream.indirect_vreg.gather [hbm4b:s6+s3], $0x80, v3, vm0, $0xb8;
	[tilespmem:$0x1E100] =	vst v63  }
0xbd: {  	v3 =	vld [tilespmem:$0x70];
	_ =	sdelay $0x4  }
0xbe: {  	v55 =	vshrl.u32 v3, $0x3  }
0xbf: {  	v4 =	vmul.u32 $0x30, v55  }
0xc0: {  	v3 =	vand.u32 $0x7, v3  }
0xc1: {  	v3 =	vor.u32 v3, v4  }
0xc2: {  	v4 =	vperm.xlane v3, v0;
	_ =	sdelay $0x1  }
0xc3: {  	v4 =	vadd.s32 v1, v4;
	_ =	sdelay $0x3  }
0xc4: {  	s12 =	rddreg [dreg:$0x14];
	v3 =	vperm.xlane v3, v2  }
0xc5: {  	[tilespmem:s12], [sflag:$0x5] =	stream.indirect_vreg.gather [hbm4b:s1+s3], $0x80, v4, vm0, $0xb8;
	[tilespmem:$0x1E100] =	vst v63  }
0xc6: {  	s13 =	rddreg [dreg:$0x15];
	v3 =	vadd.s32 v1, v3  }
0xc7: {  	[tilespmem:s13], [sflag:$0x5] =	stream.indirect_vreg.gather [hbm4b:s5+s3], $0x80, v4, vm0, $0xb8;
	[tilespmem:$0x1E100] =	vst v63  }
0xc8: {  	s12 =	rddreg [dreg:$0x16]  }
0xc9: {  	[tilespmem:s12], [sflag:$0x5] =	stream.indirect_vreg.gather [hbm4b:s6+s3], $0x80, v4, vm0, $0xb8;
	[tilespmem:$0x1E100] =	vst v63  }
0xca: {  	s13 =	rddreg [dreg:$0x17]  }
0xcb: {  	[tilespmem:s13], [sflag:$0x5] =	stream.indirect_vreg.gather [hbm4b:s1+s3], $0x80, v3, vm0, $0xb8;
	[tilespmem:$0x1E100] =	vst v63  }
0xcc: {  	s12 =	rddreg [dreg:$0x18]  }
0xcd: {  	[tilespmem:s12], [sflag:$0x5] =	stream.indirect_vreg.gather [hbm4b:s5+s3], $0x80, v3, vm0, $0xb8;
	[tilespmem:$0x1E100] =	vst v63  }
0xce: {  	s13 =	rddreg [dreg:$0x19]  }
0xcf: {  	[tilespmem:s13], [sflag:$0x5] =	stream.indirect_vreg.gather [hbm4b:s6+s3], $0x80, v3, vm0, $0xb8;
	[tilespmem:$0x1E100] =	vst v63  }
0xd0: {  	_ =	swait.ge [sflag:s9], $0x3000  }
0xd1: {  	s13 =	sld [smem:$0x7F7]  }
0xd2: {  	[sflag:s9] =	ssyncset.done $0x0  }
0xd3: {  	[sflag:s9] =	ssyncadd.s32 $0xFFFFD000  }
0xd4: {  	[hbm4b:s13+s3] =	stream.linear.scatter [tilespmem:s15], [sflag:$0x6], $0x3000, $0x38;
	[tilespmem:$0x1E100] =	vst v63  }
0xd5: {  	_ =	swait.ge [sflag:s26], $0x3000  }
0xd6: {  	[sflag:s26] =	ssyncset.done $0x0  }
0xd7: {  	[sflag:s26] =	ssyncadd.s32 $0xFFFFD000  }
0xd8: {  	v3 =	vld [tilespmem:$0x80];
	_ =	sdelay $0x4  }
0xd9: {  	v56 =	vshrl.u32 v3, $0x3  }
0xda: {  	v4 =	vmul.u32 $0x30, v56  }
0xdb: {  	v3 =	vand.u32 $0x7, v3  }
0xdc: {  	v3 =	vor.u32 v3, v4  }
0xdd: {  	v4 =	vperm.xlane v3, v0;
	_ =	sdelay $0x1  }
0xde: {  	v4 =	vadd.s32 v1, v4;
	_ =	sdelay $0x3  }
0xdf: {  	v3 =	vperm.xlane v3, v2  }
0xe0: {  	[tilespmem:s15], [sflag:$0x1] =	stream.indirect_vreg.gather [hbm4b:s1+s3], $0x80, v4, vm0, $0xb8;
	[tilespmem:$0x1E100] =	vst v63  }
0xe1: {  	v3 =	vadd.s32 v1, v3  }
0xe2: {  	[tilespmem:s14], [sflag:$0x1] =	stream.indirect_vreg.gather [hbm4b:s5+s3], $0x80, v4, vm0, $0xb8;
	[tilespmem:$0x1E100] =	vst v63  }
0xe3: {  	_ = 	snop  }
0xe4: {  	[tilespmem:s16], [sflag:$0x1] =	stream.indirect_vreg.gather [hbm4b:s6+s3], $0x80, v4, vm0, $0xb8;
	[tilespmem:$0x1E100] =	vst v63  }
0xe5: {  	_ = 	snop  }
0xe6: {  	[tilespmem:s17], [sflag:$0x1] =	stream.indirect_vreg.gather [hbm4b:s1+s3], $0x80, v3, vm0, $0xb8;
	[tilespmem:$0x1E100] =	vst v63  }
0xe7: {  	_ = 	snop  }
0xe8: {  	[tilespmem:s18], [sflag:$0x1] =	stream.indirect_vreg.gather [hbm4b:s5+s3], $0x80, v3, vm0, $0xb8;
	[tilespmem:$0x1E100] =	vst v63  }
0xe9: {  	_ = 	snop  }
0xea: {  	[tilespmem:s19], [sflag:$0x1] =	stream.indirect_vreg.gather [hbm4b:s6+s3], $0x80, v3, vm0, $0xb8;
	[tilespmem:$0x1E100] =	vst v63  }
0xeb: {  	v3 =	vld [tilespmem:$0x90];
	_ =	sdelay $0x4  }
0xec: {  	v57 =	vshrl.u32 v3, $0x3  }
0xed: {  	v4 =	vmul.u32 $0x30, v57  }
0xee: {  	v3 =	vand.u32 $0x7, v3  }
0xef: {  	v3 =	vor.u32 v3, v4  }
0xf0: {  	v4 =	vperm.xlane v3, v0;
	_ =	sdelay $0x1  }
0xf1: {  	v4 =	vadd.s32 v1, v4;
	_ =	sdelay $0x3  }
0xf2: {  	s12 =	rddreg [dreg:$0x1a];
	v3 =	vperm.xlane v3, v2  }
0xf3: {  	[tilespmem:s12], [sflag:$0x1] =	stream.indirect_vreg.gather [hbm4b:s1+s3], $0x80, v4, vm0, $0xb8;
	[tilespmem:$0x1E100] =	vst v63  }
0xf4: {  	s13 =	rddreg [dreg:$0x1b];
	v3 =	vadd.s32 v1, v3  }
0xf5: {  	[tilespmem:s13], [sflag:$0x1] =	stream.indirect_vreg.gather [hbm4b:s5+s3], $0x80, v4, vm0, $0xb8;
	[tilespmem:$0x1E100] =	vst v63  }
0xf6: {  	s12 =	rddreg [dreg:$0x1c]  }
0xf7: {  	[tilespmem:s12], [sflag:$0x1] =	stream.indirect_vreg.gather [hbm4b:s6+s3], $0x80, v4, vm0, $0xb8;
	[tilespmem:$0x1E100] =	vst v63  }
0xf8: {  	s13 =	rddreg [dreg:$0x1d]  }
0xf9: {  	[tilespmem:s13], [sflag:$0x1] =	stream.indirect_vreg.gather [hbm4b:s1+s3], $0x80, v3, vm0, $0xb8;
	[tilespmem:$0x1E100] =	vst v63  }
0xfa: {  	s12 =	rddreg [dreg:$0x1e]  }
0xfb: {  	[tilespmem:s12], [sflag:$0x1] =	stream.indirect_vreg.gather [hbm4b:s5+s3], $0x80, v3, vm0, $0xb8;
	[tilespmem:$0x1E100] =	vst v63  }
0xfc: {  	s13 =	rddreg [dreg:$0x1f]  }
0xfd: {  	[tilespmem:s13], [sflag:$0x1] =	stream.indirect_vreg.gather [hbm4b:s6+s3], $0x80, v3, vm0, $0xb8;
	[tilespmem:$0x1E100] =	vst v63  }
0xfe: {  	_ =	swait.ge [sflag:s4], $0x3000  }
0xff: {  	[sflag:s4] =	ssyncset.done $0x0  }
0x100: {  	s13 =	rddreg [dreg:$0x6];
	[sflag:s4] =	ssyncadd.s32 $0xFFFFD000  }
0x101: {  	[hbm4b:s13+s3] =	stream.linear.scatter [tilespmem:s21], [sflag:$0x7], $0x3000, $0x38;
	[tilespmem:$0x1E100] =	vst v63  }
0x102: {  	_ =	swait.ge [sflag:s28], $0x3000  }
0x103: {  	[sflag:s28] =	ssyncset.done $0x0  }
0x104: {  	[sflag:s28] =	ssyncadd.s32 $0xFFFFD000  }
0x105: {  	v3 =	vld [tilespmem:$0xA0];
	_ =	sdelay $0x4  }
0x106: {  	v58 =	vshrl.u32 v3, $0x3  }
0x107: {  	v4 =	vmul.u32 $0x30, v58  }
0x108: {  	v3 =	vand.u32 $0x7, v3  }
0x109: {  	v3 =	vor.u32 v3, v4  }
0x10a: {  	v4 =	vperm.xlane v3, v0;
	_ =	sdelay $0x1  }
0x10b: {  	v4 =	vadd.s32 v1, v4;
	_ =	sdelay $0x3  }
0x10c: {  	v3 =	vperm.xlane v3, v2  }
0x10d: {  	[tilespmem:s21], [sflag:$0x2] =	stream.indirect_vreg.gather [hbm4b:s1+s3], $0x80, v4, vm0, $0xb8;
	[tilespmem:$0x1E100] =	vst v63  }
0x10e: {  	v3 =	vadd.s32 v1, v3  }
0x10f: {  	[tilespmem:s20], [sflag:$0x2] =	stream.indirect_vreg.gather [hbm4b:s5+s3], $0x80, v4, vm0, $0xb8;
	[tilespmem:$0x1E100] =	vst v63  }
0x110: {  	_ = 	snop  }
0x111: {  	[tilespmem:s22], [sflag:$0x2] =	stream.indirect_vreg.gather [hbm4b:s6+s3], $0x80, v4, vm0, $0xb8;
	[tilespmem:$0x1E100] =	vst v63  }
0x112: {  	_ = 	snop  }
0x113: {  	[tilespmem:s23], [sflag:$0x2] =	stream.indirect_vreg.gather [hbm4b:s1+s3], $0x80, v3, vm0, $0xb8;
	[tilespmem:$0x1E100] =	vst v63  }
0x114: {  	_ = 	snop  }
0x115: {  	[tilespmem:s24], [sflag:$0x2] =	stream.indirect_vreg.gather [hbm4b:s5+s3], $0x80, v3, vm0, $0xb8;
	[tilespmem:$0x1E100] =	vst v63  }
0x116: {  	_ = 	snop  }
0x117: {  	[tilespmem:s8], [sflag:$0x2] =	stream.indirect_vreg.gather [hbm4b:s6+s3], $0x80, v3, vm0, $0xb8;
	[tilespmem:$0x1E100] =	vst v63  }
0x118: {  	v3 =	vld [tilespmem:$0xB0];
	_ =	sdelay $0x4  }
0x119: {  	v59 =	vshrl.u32 v3, $0x3  }
0x11a: {  	v4 =	vmul.u32 $0x30, v59  }
0x11b: {  	v3 =	vand.u32 $0x7, v3  }
0x11c: {  	v3 =	vor.u32 v3, v4  }
0x11d: {  	v4 =	vperm.xlane v3, v0;
	_ =	sdelay $0x1  }
0x11e: {  	v4 =	vadd.s32 v1, v4;
	_ =	sdelay $0x1  }
0x11f: {  	s13 =	sld [smem:$0x7F8];
	_ =	sdelay $0x1  }
0x120: {  	s8 =	sld [smem:$0x7F9];
	v3 =	vperm.xlane v3, v2  }
0x121: {  	[tilespmem:s13], [sflag:$0x2] =	stream.indirect_vreg.gather [hbm4b:s1+s3], $0x80, v4, vm0, $0xb8;
	[tilespmem:$0x1E100] =	vst v63  }
0x122: {  	s12 =	sld [smem:$0x7FA];
	v3 =	vadd.s32 v1, v3  }
0x123: {  	[tilespmem:s8], [sflag:$0x2] =	stream.indirect_vreg.gather [hbm4b:s5+s3], $0x80, v4, vm0, $0xb8;
	[tilespmem:$0x1E100] =	vst v63  }
0x124: {  	s8 =	sld [smem:$0x7FB]  }
0x125: {  	[tilespmem:s12], [sflag:$0x2] =	stream.indirect_vreg.gather [hbm4b:s6+s3], $0x80, v4, vm0, $0xb8;
	[tilespmem:$0x1E100] =	vst v63  }
0x126: {  	s12 =	sld [smem:$0x7FC]  }
0x127: {  	[tilespmem:s8], [sflag:$0x2] =	stream.indirect_vreg.gather [hbm4b:s1+s3], $0x80, v3, vm0, $0xb8;
	[tilespmem:$0x1E100] =	vst v63  }
0x128: {  	s8 =	sld [smem:$0x7FD]  }
0x129: {  	[tilespmem:s12], [sflag:$0x2] =	stream.indirect_vreg.gather [hbm4b:s5+s3], $0x80, v3, vm0, $0xb8;
	[tilespmem:$0x1E100] =	vst v63  }
0x12a: {  	_ = 	snop  }
0x12b: {  	[tilespmem:s8], [sflag:$0x2] =	stream.indirect_vreg.gather [hbm4b:s6+s3], $0x80, v3, vm0, $0xb8;
	[tilespmem:$0x1E100] =	vst v63  }
0x12c: {  	_ =	swait.ge [sflag:s29], $0x6000  }
0x12d: {  	[sflag:s29] =	ssyncset.done $0x0  }
0x12e: {  	s8 =	rddreg [dreg:$0x7];
	[sflag:s29] =	ssyncadd.s32 $0xFFFFA000  }
0x12f: {  	[hbm4b:s8+s3] =	stream.linear.scatter [tilespmem:s10], [sflag:$0x8], $0x6000, $0x38;
	[tilespmem:$0x1E100] =	vst v63  }
0x130: {  	_ =	swait.ge [sflag:s30], $0x6000  }
0x131: {  	[sflag:s30] =	ssyncset.done $0x0  }
0x132: {  	[sflag:s30] =	ssyncadd.s32 $0xFFFFA000  }
0x133: {  	v3 =	vld [tilespmem:$0xC0];
	_ =	sdelay $0x4  }
0x134: {  	v60 =	vshrl.u32 v3, $0x3  }
0x135: {  	v4 =	vmul.u32 $0x30, v60  }
0x136: {  	v3 =	vand.u32 $0x7, v3  }
0x137: {  	v3 =	vor.u32 v3, v4  }
0x138: {  	v4 =	vperm.xlane v3, v0;
	_ =	sdelay $0x1  }
0x139: {  	v4 =	vadd.s32 v1, v4;
	_ =	sdelay $0x3  }
0x13a: {  	v3 =	vperm.xlane v3, v2  }
0x13b: {  	[tilespmem:s10], [sflag:$0x3] =	stream.indirect_vreg.gather [hbm4b:s1+s3], $0x80, v4, vm0, $0xb8;
	[tilespmem:$0x1E100] =	vst v63  }
0x13c: {  	s13 =	simm.s32 $0xC900;
	v3 =	vadd.s32 v1, v3  }
0x13d: {  	[tilespmem:s13], [sflag:$0x3] =	stream.indirect_vreg.gather [hbm4b:s5+s3], $0x80, v4, vm0, $0xb8;
	[tilespmem:$0x1E100] =	vst v63  }
0x13e: {  	s12 =	simm.s32 $0xD100  }
0x13f: {  	[tilespmem:s12], [sflag:$0x3] =	stream.indirect_vreg.gather [hbm4b:s6+s3], $0x80, v4, vm0, $0xb8;
	[tilespmem:$0x1E100] =	vst v63  }
0x140: {  	s13 =	simm.s32 $0xD900  }
0x141: {  	[tilespmem:s13], [sflag:$0x3] =	stream.indirect_vreg.gather [hbm4b:s1+s3], $0x80, v3, vm0, $0xb8;
	[tilespmem:$0x1E100] =	vst v63  }
0x142: {  	s12 =	simm.s32 $0xE100  }
0x143: {  	[tilespmem:s12], [sflag:$0x3] =	stream.indirect_vreg.gather [hbm4b:s5+s3], $0x80, v3, vm0, $0xb8;
	[tilespmem:$0x1E100] =	vst v63  }
0x144: {  	s13 =	simm.s32 $0xE900  }
0x145: {  	[tilespmem:s13], [sflag:$0x3] =	stream.indirect_vreg.gather [hbm4b:s6+s3], $0x80, v3, vm0, $0xb8;
	[tilespmem:$0x1E100] =	vst v63  }
0x146: {  	v3 =	vld [tilespmem:$0xD0];
	_ =	sdelay $0x4  }
0x147: {  	v61 =	vshrl.u32 v3, $0x3  }
0x148: {  	v4 =	vmul.u32 $0x30, v61  }
0x149: {  	v3 =	vand.u32 $0x7, v3  }
0x14a: {  	v3 =	vor.u32 v3, v4  }
0x14b: {  	v4 =	vperm.xlane v3, v0;
	_ =	sdelay $0x1  }
0x14c: {  	v4 =	vadd.s32 v1, v4;
	_ =	sdelay $0x3  }
0x14d: {  	s12 =	simm.s32 $0xF100;
	v3 =	vperm.xlane v3, v2  }
0x14e: {  	[tilespmem:s12], [sflag:$0x3] =	stream.indirect_vreg.gather [hbm4b:s1+s3], $0x80, v4, vm0, $0xb8;
	[tilespmem:$0x1E100] =	vst v63  }
0x14f: {  	s13 =	simm.s32 $0xF900;
	v3 =	vadd.s32 v1, v3  }
0x150: {  	[tilespmem:s13], [sflag:$0x3] =	stream.indirect_vreg.gather [hbm4b:s5+s3], $0x80, v4, vm0, $0xb8;
	[tilespmem:$0x1E100] =	vst v63  }
0x151: {  	s12 =	simm.s32 $0x10100  }
0x152: {  	[tilespmem:s12], [sflag:$0x3] =	stream.indirect_vreg.gather [hbm4b:s6+s3], $0x80, v4, vm0, $0xb8;
	[tilespmem:$0x1E100] =	vst v63  }
0x153: {  	s13 =	simm.s32 $0x10900  }
0x154: {  	[tilespmem:s13], [sflag:$0x3] =	stream.indirect_vreg.gather [hbm4b:s1+s3], $0x80, v3, vm0, $0xb8;
	[tilespmem:$0x1E100] =	vst v63  }
0x155: {  	s12 =	simm.s32 $0x11100  }
0x156: {  	[tilespmem:s12], [sflag:$0x3] =	stream.indirect_vreg.gather [hbm4b:s5+s3], $0x80, v3, vm0, $0xb8;
	[tilespmem:$0x1E100] =	vst v63  }
0x157: {  	s13 =	simm.s32 $0x11900  }
0x158: {  	[tilespmem:s13], [sflag:$0x3] =	stream.indirect_vreg.gather [hbm4b:s6+s3], $0x80, v3, vm0, $0xb8;
	[tilespmem:$0x1E100] =	vst v63  }
0x159: {  	_ =	swait.ge [sflag:s31], $0x6000  }
0x15a: {  	[sflag:s31] =	ssyncset.done $0x0  }
0x15b: {  	s8 =	rddreg [dreg:$0x8];
	[sflag:s31] =	ssyncadd.s32 $0xFFFFA000  }
0x15c: {  	[hbm4b:s8+s3] =	stream.linear.scatter [tilespmem:s25], [sflag:$0x9], $0x6000, $0x38;
	[tilespmem:$0x1E100] =	vst v63  }
0x15d: {  	_ =	swait.ge [sflag:s2], $0x6000  }
0x15e: {  	[sflag:s2] =	ssyncset.done $0x0  }
0x15f: {  	[sflag:s2] =	ssyncadd.s32 $0xFFFFA000  }
0x160: {  	v3 =	vld [tilespmem:$0xE0];
	_ =	sdelay $0x4  }
0x161: {  	v62 =	vshrl.u32 v3, $0x3  }
0x162: {  	v4 =	vmul.u32 $0x30, v62  }
0x163: {  	v3 =	vand.u32 $0x7, v3  }
0x164: {  	v3 =	vor.u32 v3, v4  }
0x165: {  	v4 =	vperm.xlane v3, v0;
	_ =	sdelay $0x1  }
0x166: {  	v4 =	vadd.s32 v1, v4;
	_ =	sdelay $0x3  }
0x167: {  	v3 =	vperm.xlane v3, v2  }
0x168: {  	[tilespmem:s25], [sflag:$0x4] =	stream.indirect_vreg.gather [hbm4b:s1+s3], $0x80, v4, vm0, $0xb8;
	[tilespmem:$0x1E100] =	vst v63  }
0x169: {  	s13 =	simm.s32 $0x12900;
	v3 =	vadd.s32 v1, v3  }
0x16a: {  	[tilespmem:s13], [sflag:$0x4] =	stream.indirect_vreg.gather [hbm4b:s5+s3], $0x80, v4, vm0, $0xb8;
	[tilespmem:$0x1E100] =	vst v63  }
0x16b: {  	s12 =	simm.s32 $0x13100  }
0x16c: {  	[tilespmem:s12], [sflag:$0x4] =	stream.indirect_vreg.gather [hbm4b:s6+s3], $0x80, v4, vm0, $0xb8;
	[tilespmem:$0x1E100] =	vst v63  }
0x16d: {  	s13 =	simm.s32 $0x13900  }
0x16e: {  	[tilespmem:s13], [sflag:$0x4] =	stream.indirect_vreg.gather [hbm4b:s1+s3], $0x80, v3, vm0, $0xb8;
	[tilespmem:$0x1E100] =	vst v63  }
0x16f: {  	s12 =	simm.s32 $0x14100  }
0x170: {  	[tilespmem:s12], [sflag:$0x4] =	stream.indirect_vreg.gather [hbm4b:s5+s3], $0x80, v3, vm0, $0xb8;
	[tilespmem:$0x1E100] =	vst v63  }
0x171: {  	s13 =	simm.s32 $0x14900  }
0x172: {  	[tilespmem:s13], [sflag:$0x4] =	stream.indirect_vreg.gather [hbm4b:s6+s3], $0x80, v3, vm0, $0xb8;
	[tilespmem:$0x1E100] =	vst v63  }
0x173: {  	v3 =	vld [tilespmem:$0xF0];
	_ =	sdelay $0x4  }
0x174: {  	v63 =	vshrl.u32 v3, $0x3  }
0x175: {  	v4 =	vmul.u32 $0x30, v63  }
0x176: {  	v3 =	vand.u32 $0x7, v3  }
0x177: {  	v3 =	vor.u32 v3, v4  }
0x178: {  	v4 =	vperm.xlane v3, v0;
	_ =	sdelay $0x1  }
0x179: {  	v4 =	vadd.s32 v1, v4;
	_ =	sdelay $0x3  }
0x17a: {  	s12 =	simm.s32 $0x15100;
	v3 =	vperm.xlane v3, v2  }
0x17b: {  	[tilespmem:s12], [sflag:$0x4] =	stream.indirect_vreg.gather [hbm4b:s1+s3], $0x80, v4, vm0, $0xb8;
	[tilespmem:$0x1E100] =	vst v63  }
0x17c: {  	s13 =	simm.s32 $0x15900;
	v3 =	vadd.s32 v1, v3  }
0x17d: {  	[tilespmem:s13], [sflag:$0x4] =	stream.indirect_vreg.gather [hbm4b:s5+s3], $0x80, v4, vm0, $0xb8;
	[tilespmem:$0x1E100] =	vst v63  }
0x17e: {  	s12 =	simm.s32 $0x16100  }
0x17f: {  	[tilespmem:s12], [sflag:$0x4] =	stream.indirect_vreg.gather [hbm4b:s6+s3], $0x80, v4, vm0, $0xb8;
	[tilespmem:$0x1E100] =	vst v63  }
0x180: {  	s13 =	simm.s32 $0x16900  }
0x181: {  	[tilespmem:s13], [sflag:$0x4] =	stream.indirect_vreg.gather [hbm4b:s1+s3], $0x80, v3, vm0, $0xb8;
	[tilespmem:$0x1E100] =	vst v63  }
0x182: {  	s12 =	simm.s32 $0x17100  }
0x183: {  	[tilespmem:s12], [sflag:$0x4] =	stream.indirect_vreg.gather [hbm4b:s5+s3], $0x80, v3, vm0, $0xb8;
	[tilespmem:$0x1E100] =	vst v63  }
0x184: {  	s11 =	simm.s32 $0x17900;
	s13 =	simm.s32 $0x5  }
0x185: {  	[tilespmem:s11], [sflag:$0x4] =	stream.indirect_vreg.gather [hbm4b:s6+s3], $0x80, v3, vm0, $0xb8;
	[tilespmem:$0x1E100] =	vst v63  }
0x186: {  	_ =	swait.ge [sflag:s13], $0x6000  }
0x187: {  	[sflag:s13] =	ssyncset.done $0x0  }
0x188: {  	s11 =	rddreg [dreg:$0x9];
	[sflag:s13] =	ssyncadd.s32 $0xFFFFA000  }
0x189: {  	[hbm4b:s11+s3] =	stream.linear.scatter [tilespmem:s0], [sflag:$0xA], $0x6000, $0x38;
	[tilespmem:$0x1E100] =	vst v63  }
0x18a: {  	_ =	swait.ge [sflag:s9], $0x6000  }
0x18b: {  	[sflag:s9] =	ssyncset.done $0x0  }
0x18c: {  	s13 =	rddreg [dreg:$0xa];
	[sflag:s9] =	ssyncadd.s32 $0xFFFFA000  }
0x18d: {  	[hbm4b:s13+s3] =	stream.linear.scatter [tilespmem:s15], [sflag:$0x6], $0x6000, $0x38;
	[tilespmem:$0x1E100] =	vst v63  }
0x18e: {  	_ =	swait.ge [sflag:s4], $0x6000  }
0x18f: {  	[sflag:s4] =	ssyncset.done $0x0  }
0x190: {  	s0 =	rddreg [dreg:$0xb];
	[sflag:s4] =	ssyncadd.s32 $0xFFFFA000  }
0x191: {  	[hbm4b:s0+s3] =	stream.linear.scatter [tilespmem:s21], [sflag:$0x7], $0x6000, $0x38;
	[tilespmem:$0x1E100] =	vst v63  }
0x192: {  	_ =	swait.ge [sflag:s29], $0x6000  }
0x193: {  	[sflag:s29] =	ssyncset.done $0x0  }
0x194: {  	s8 =	rddreg [dreg:$0xc];
	[sflag:s29] =	ssyncadd.s32 $0xFFFFA000  }
0x195: {  	[hbm4b:s8+s3] =	stream.linear.scatter [tilespmem:s10], [sflag:$0x8], $0x6000, $0x38;
	[tilespmem:$0x1E100] =	vst v63  }
0x196: {  	_ =	swait.ge [sflag:s31], $0x6000  }
0x197: {  	[sflag:s31] =	ssyncset.done $0x0  }
0x198: {  	s13 =	simm.s32 $0xA;
	s11 =	rddreg [dreg:$0xd];
	[sflag:s31] =	ssyncadd.s32 $0xFFFFA000  }
0x199: {  	[hbm4b:s11+s3] =	stream.linear.scatter [tilespmem:s25], [sflag:$0x9], $0x6000, $0x38;
	[tilespmem:$0x1E100] =	vst v63  }
0x19a: {  	_ =	swait.ge [sflag:s13], $0x6000  }
0x19b: {  	[sflag:s13] =	ssyncset.done $0x0  }
0x19c: {  	[sflag:s13] =	ssyncadd.s32 $0xFFFFA000  }
0x19d: {  	_ =	swait.ge [sflag:s26], $0x6000  }
0x19e: {  	[sflag:s26] =	ssyncset.done $0x0  }
0x19f: {  	[sflag:s26] =	ssyncadd.s32 $0xFFFFA000  }
0x1a0: {  	_ =	swait.ge [sflag:s28], $0x6000  }
0x1a1: {  	[sflag:s28] =	ssyncset.done $0x0  }
0x1a2: {  	[sflag:s28] =	ssyncadd.s32 $0xFFFFA000  }
0x1a3: {  	p0 =	sne.s32 s7, $0x1;
	_ =	swait.ge [sflag:s30], $0x6000  }
.Ltmp0:
0x1a4: {  	[sflag:s30] =	ssyncset.done $0x0;
	(pc) =	sbr.rel @p0 .LBB2_1-.Ltmp0, $4  }
0x1a5: {  	[sflag:s30] =	ssyncadd.s32 $0xFFFFA000  }
0x1a6: {  	_ =	swait.ge [sflag:s2], $0x6000  }
0x1a7: {  	[sflag:s2] =	ssyncset.done $0x0  }
0x1a8: {  	s7 =	sadd.s32 $0xFFFFFFFF, s7;
	[sflag:s2] =	ssyncadd.s32 $0xFFFFA000  }
0x1a9: {  	_ =	sfence.sel $0x180000  }
0x1aa: {  	[bflag:$0x0] =	sbarrier.arrive $0xFFFF  }
0x1ab: {  	_ =	strace $0x90000047  }
0x1ac: {  	s0 =	stileid.u32;
	[bflag:$0x2] =	sbarrier.arrive $0xFFFF  }
0x1ad: {  	p0 =	sne.s32 s0, $0x0;
	s0 =	rddreg [dreg:$0x3]  }
0x1ae: {  	s0 =	sadd.s32 @!p0 $0x100000, s0  }
0x1af: {  	[sflag:s0] =	ssyncadd.tile.s32 @!p0 $0x1;
	_ =	shalt  }
.Lfunc_end2:
_tile_overlayer_lowered:
.L_overlay_start_2:
0x1b0: {  	(tag) =	ssettag $0x2  }
0x1b1: {  	s0 =	rddreg [dreg:$0x0];
	s2 =	stileid.u32  }
0x1b2: {  	s1 =	rddreg [dreg:$0x1];
	p0 =	sne.s32 s2, $0x0  }
0x1b3: {  	s3 =	rddreg [dreg:$0x2];
	[bflag:$0x3] =	sbarrier.arrive $0xFFFF;
	s2 =	simm.s32 @!p0 $0x1C0B  }
0x1b4: {  	[timem:s3], [sflag:s2] =	dma.local @!p0 [hbm:s0], s1  }
0x1b5: {  	s0 =	simm.s32 @!p0 $0xB  }
0x1b6: {  	_ =	swait.ge @!p0 [sflag:s0], s1  }
0x1b7: {  	s1 =	ssub.s32 @!p0 $0x0, s1;
	[sflag:s0] =	ssyncset.done @!p0 $0x0  }
0x1b8: {  	[sflag:s0] =	ssyncadd.s32 @!p0 s1  }
0x1b9: {  	[bflag:$0x3] =	sbarrier.arrive $0xFFFF  }
0x1ba: {  	_ =	shalt  }

</sc_bundles>
